<compile_context>
chip_gen: v7x
topology: tpu7x:2x2x1
jax: 0.10.2.dev20260603
libtpu: 0.0.44.dev20260713+nightly
codegen_flags: <defaults>
</compile_context>

<pallas_src>
import functools

import jax
import jax.numpy as jnp
from jax import lax
from jax.experimental import pallas as pl
from jax.experimental.pallas import tpu as pltpu
from jax.experimental.pallas import tpu_sc as plsc

_K = 1024
_C = 64
_CQ = 16
_NPAIR = 8
_RS = 1024
_PPW = 2048
_GROUPS = _PPW // 16
_HALF = _PPW // 2


def _emb_body(idx_hbm, w_hbm, out_hbm, idx_v, table_v, out_v, sem_in, sem_out):
    cid = lax.axis_index("c")
    sid = lax.axis_index("s")
    wid = sid * 2 + cid
    b = wid // 8
    cq = (wid // 2) % 4
    ph = wid % 2

    cp_idx = pltpu.async_copy(idx_hbm.at[b, pl.ds(ph * _PPW, _PPW)], idx_v, sem_in)
    cp_tab = pltpu.async_copy(
        w_hbm.at[pl.ds(cq * (_NPAIR * _RS), _NPAIR * _RS)], table_v, sem_in
    )
    cp_idx.wait()
    cp_tab.wait()

    himask = jnp.full((16,), -65536, jnp.int32)

    def group(g):
        rows = idx_v[pl.ds(g * 16, 16)]
        for p in range(_NPAIR):
            w = plsc.load_gather(table_v, [rows + p * _RS])
            lo = plsc.bitcast(w << 16, jnp.float32)
            hi = plsc.bitcast(w & himask, jnp.float32)
            out_v[2 * p, pl.ds(g * 16, 16)] = lo
            out_v[2 * p + 1, pl.ds(g * 16, 16)] = hi

    plsc.parallel_loop(0, _GROUPS // 2, unroll=4)(group)

    cp_out = pltpu.async_copy(
        out_v.at[:, pl.ds(0, _HALF)],
        out_hbm.at[b, pl.ds(cq * _CQ, _CQ), pl.ds(ph * _PPW, _HALF)],
        sem_out,
    )

    plsc.parallel_loop(_GROUPS // 2, _GROUPS, unroll=4)(group)

    cp_out.wait()
    pltpu.sync_copy(
        out_v.at[:, pl.ds(_HALF, _HALF)],
        out_hbm.at[b, pl.ds(cq * _CQ, _CQ), pl.ds(ph * _PPW + _HALF, _HALF)],
    )


@jax.jit
def _emb_lookup(idx, wq):
    mesh = plsc.VectorSubcoreMesh(core_axis_name="c", subcore_axis_name="s")
    f = functools.partial(
        pl.kernel,
        out_type=jax.ShapeDtypeStruct((4, _C, 4096), jnp.float32),
        mesh=mesh,
        scratch_types=[
            pltpu.VMEM((_PPW,), jnp.int32),
            pltpu.VMEM((_NPAIR * _RS,), jnp.int32),
            pltpu.VMEM((_CQ, _PPW), jnp.float32),
            pltpu.SemaphoreType.DMA,
            pltpu.SemaphoreType.DMA,
        ],
        compiler_params=pltpu.CompilerParams(needs_layout_passes=False),
    )(_emb_body)
    return f(idx, wq)


def kernel(inputs, weight):
    b, h, w, t = inputs.shape
    idx = inputs.reshape(b, h * w * t).astype(jnp.int32)
    wb = jax.lax.bitcast_convert_type(
        weight.astype(jnp.bfloat16).reshape(_K, _C // 2, 2), jnp.int32
    )
    wq = jnp.transpose(wb, (1, 0)).reshape(-1)
    out = _emb_lookup(idx, wq)
    return out.reshape(b, _C, h, w, t)

# --- scband reference (transcript-rebuilt; emitter-appended) ---
"""Pipeline reference for scband-embedding2d-41901700940494 (READ-ONLY COPY).

The authoritative reference and input builder live on the scoring server;
editing this copy changes nothing except your own understanding.
"""

import jax, jax.numpy as jnp
import numpy as np

NUM_EMBEDDINGS = 1024
EMBEDDING_DIM = 64


def setup_inputs(seed: int = 0) -> dict:
    key = jax.random.key(seed)
    k1, k2 = jax.random.split(key)
    inputs = jax.random.randint(k1, (4, 16, 16, 16), 0, NUM_EMBEDDINGS, dtype=jnp.int64 if jax.config.jax_enable_x64 else jnp.int32)
    weight = jax.random.uniform(k2, (NUM_EMBEDDINGS, EMBEDDING_DIM), dtype=jnp.float32,
                                minval=-1.0 / NUM_EMBEDDINGS, maxval=1.0 / NUM_EMBEDDINGS)
    return {"inputs": inputs, "weight": weight}


def reference(inputs, weight):
    # inputs: int[b, h, w, t]; weight: float32[K, C]
    b, h, w, t = inputs.shape
    K, C = weight.shape
    # rearrange 'b h w t -> b t (h w)'
    flat_input = jnp.transpose(inputs, (0, 3, 1, 2)).reshape(b, t, h * w)
    # one-hot + matmul (faithful to the torch module)
    one_hots = jax.nn.one_hot(flat_input, K, dtype=jnp.float32)  # [b, t, hw, K]
    embeddings = jnp.matmul(one_hots, weight)  # [b, t, hw, C]
    # rearrange 'b t (h w) c -> b c h w t'
    embeddings = embeddings.reshape(b, t, h, w, C)
    embeddings = jnp.transpose(embeddings, (0, 4, 2, 3, 1))  # [b, c, h, w, t]
    return embeddings

if __name__ == "__main__":
    import jax
    _d = setup_inputs()
    print(jax.jit(kernel)(*tuple(_d.values())))

</pallas_src>

<mosaic_0001>
#map = affine_map<(d0, d1) -> (0, 0)>
#map1 = affine_map<(d0, d1) -> (0)>
#map2 = affine_map<(d0, d1) -> (0, 0, 0)>
module attributes {stable_mosaic.version = 14 : i64} {
  func.func @_emb_body(%arg0: i32, %arg1: i32, %arg2: memref<4x4096xi32, #tpu.memory_space<hbm>>, %arg3: memref<32768xi32, #tpu.memory_space<hbm>>, %arg4: memref<4x64x4096xf32, #tpu.memory_space<hbm>>, %arg5: memref<2048xi32, #tpu.memory_space<vmem>>, %arg6: memref<8192xi32, #tpu.memory_space<vmem>>, %arg7: memref<16x2048xf32, #tpu.memory_space<vmem>>, %arg8: memref<!tpu.dma_semaphore, #tpu.memory_space<semaphore_mem>>, %arg9: memref<!tpu.dma_semaphore, #tpu.memory_space<semaphore_mem>>) attributes {dimension_semantics = [#tpu.dimension_semantics<core_parallel>, #tpu.dimension_semantics<subcore_parallel>], iteration_bounds = array<i64: 2, 16>, scalar_prefetch = 0 : i64, scratch_operands = 5 : i64, tpu.core_type = #tpu.core_type<sc_vector_subcore>, window_params = [{transform_indices = #map}, {transform_indices = #map1}, {transform_indices = #map2}]} {
    %mul3A = arith.constant 2 : i32
    %mul3A_0 = arith.muli %arg1, %mul3A : i32
    %add3A = arith.addi %mul3A_0, %arg0 : i32
    %jit3A = arith.constant 8 : i32
    %div3A = arith.divsi %add3A, %jit3A : i32
    %sign3A = arith.constant 0 : i32
    %sign3A_1 = arith.cmpi sgt, %add3A, %sign3A : i32
    %sign3A_2 = arith.extui %sign3A_1 : i1 to i32
    %sign3A_3 = arith.constant 0 : i32
    %sign3A_4 = arith.cmpi slt, %add3A, %sign3A_3 : i32
    %sign3A_5 = arith.extui %sign3A_4 : i1 to i32
    %sign3A_6 = arith.subi %sign3A_2, %sign3A_5 : i32
    %sign3A_7 = arith.constant 0 : i32
    %sign3A_8 = arith.cmpi sgt, %jit3A, %sign3A_7 : i32
    %sign3A_9 = arith.extui %sign3A_8 : i1 to i32
    %sign3A_10 = arith.constant 0 : i32
    %sign3A_11 = arith.cmpi slt, %jit3A, %sign3A_10 : i32
    %sign3A_12 = arith.extui %sign3A_11 : i1 to i32
    %sign3A_13 = arith.subi %sign3A_9, %sign3A_12 : i32
    %ne3A = arith.cmpi ne, %sign3A_6, %sign3A_13 : i32
    %rem3A = arith.remsi %add3A, %jit3A : i32
    %ne3A_14 = arith.constant 0 : i32
    %ne3A_15 = arith.cmpi ne, %rem3A, %ne3A_14 : i32
    %and3A = arith.andi %ne3A, %ne3A_15 : i1
    %sub3A = arith.constant 1 : i32
    %sub3A_16 = arith.subi %div3A, %sub3A : i32
    %select_n3A = arith.select %and3A, %sub3A_16, %div3A : i32
    %jit3A_17 = arith.constant 2 : i32
    %div3A_18 = arith.divsi %add3A, %jit3A_17 : i32
    %sign3A_19 = arith.constant 0 : i32
    %sign3A_20 = arith.cmpi sgt, %add3A, %sign3A_19 : i32
    %sign3A_21 = arith.extui %sign3A_20 : i1 to i32
    %sign3A_22 = arith.constant 0 : i32
    %sign3A_23 = arith.cmpi slt, %add3A, %sign3A_22 : i32
    %sign3A_24 = arith.extui %sign3A_23 : i1 to i32
    %sign3A_25 = arith.subi %sign3A_21, %sign3A_24 : i32
    %sign3A_26 = arith.constant 0 : i32
    %sign3A_27 = arith.cmpi sgt, %jit3A_17, %sign3A_26 : i32
    %sign3A_28 = arith.extui %sign3A_27 : i1 to i32
    %sign3A_29 = arith.constant 0 : i32
    %sign3A_30 = arith.cmpi slt, %jit3A_17, %sign3A_29 : i32
    %sign3A_31 = arith.extui %sign3A_30 : i1 to i32
    %sign3A_32 = arith.subi %sign3A_28, %sign3A_31 : i32
    %ne3A_33 = arith.cmpi ne, %sign3A_25, %sign3A_32 : i32
    %rem3A_34 = arith.remsi %add3A, %jit3A_17 : i32
    %ne3A_35 = arith.constant 0 : i32
    %ne3A_36 = arith.cmpi ne, %rem3A_34, %ne3A_35 : i32
    %and3A_37 = arith.andi %ne3A_33, %ne3A_36 : i1
    %sub3A_38 = arith.constant 1 : i32
    %sub3A_39 = arith.subi %div3A_18, %sub3A_38 : i32
    %select_n3A_40 = arith.select %and3A_37, %sub3A_39, %div3A_18 : i32
    %jit3A_41 = arith.constant 4 : i32
    %eq3A = arith.constant 0 : i32
    %eq3A_42 = arith.cmpi eq, %jit3A_41, %eq3A : i32
    %jit3A_43 = arith.constant 1 : i32
    %select_n3A_44 = arith.select %eq3A_42, %jit3A_43, %jit3A_41 : i32
    %rem3A_45 = arith.remsi %select_n3A_40, %select_n3A_44 : i32
    %ne3A_46 = arith.constant 0 : i32
    %ne3A_47 = arith.cmpi ne, %rem3A_45, %ne3A_46 : i32
    %lt3A = arith.constant 0 : i32
    %lt3A_48 = arith.cmpi slt, %rem3A_45, %lt3A : i32
    %lt3A_49 = arith.constant 0 : i32
    %lt3A_50 = arith.cmpi slt, %select_n3A_44, %lt3A_49 : i32
    %ne3A_51 = arith.xori %lt3A_48, %lt3A_50 : i1
    %and3A_52 = arith.andi %ne3A_51, %ne3A_47 : i1
    %add3A_53 = arith.addi %rem3A_45, %select_n3A_44 : i32
    %select_n3A_54 = arith.select %and3A_52, %add3A_53, %rem3A_45 : i32
    %jit3A_55 = arith.constant 2 : i32
    %eq3A_56 = arith.constant 0 : i32
    %eq3A_57 = arith.cmpi eq, %jit3A_55, %eq3A_56 : i32
    %jit3A_58 = arith.constant 1 : i32
    %select_n3A_59 = arith.select %eq3A_57, %jit3A_58, %jit3A_55 : i32
    %rem3A_60 = arith.remsi %add3A, %select_n3A_59 : i32
    %ne3A_61 = arith.constant 0 : i32
    %ne3A_62 = arith.cmpi ne, %rem3A_60, %ne3A_61 : i32
    %lt3A_63 = arith.constant 0 : i32
    %lt3A_64 = arith.cmpi slt, %rem3A_60, %lt3A_63 : i32
    %lt3A_65 = arith.constant 0 : i32
    %lt3A_66 = arith.cmpi slt, %select_n3A_59, %lt3A_65 : i32
    %ne3A_67 = arith.xori %lt3A_64, %lt3A_66 : i1
    %and3A_68 = arith.andi %ne3A_67, %ne3A_62 : i1
    %add3A_69 = arith.addi %rem3A_60, %select_n3A_59 : i32
    %select_n3A_70 = arith.select %and3A_68, %add3A_69, %rem3A_60 : i32
    %mul3A_71 = arith.constant 2048 : i32
    %mul3A_72 = arith.muli %select_n3A_70, %mul3A_71 : i32
    %dma_start3A = tpu.memref_slice %arg2[%select_n3A, %mul3A_72] : memref<4x4096xi32, #tpu.memory_space<hbm>> -> memref<1x2048xi32, #tpu.memory_space<hbm>>
    %dma_start3A_73 = tpu.memref_squeeze %dma_start3A : memref<1x2048xi32, #tpu.memory_space<hbm>> -> memref<2048xi32, #tpu.memory_space<hbm>>
    %dma_start3A_74 = tpu.memref_slice %arg2[%select_n3A, %mul3A_72] : memref<4x4096xi32, #tpu.memory_space<hbm>> -> memref<1x2048xi32, #tpu.memory_space<hbm>>
    %dma_start3A_75 = tpu.memref_squeeze %dma_start3A_74 : memref<1x2048xi32, #tpu.memory_space<hbm>> -> memref<2048xi32, #tpu.memory_space<hbm>>
    tpu.enqueue_dma source(%dma_start3A_75 : memref<2048xi32, #tpu.memory_space<hbm>>) target(%arg5 : memref<2048xi32, #tpu.memory_space<vmem>>) target_semaphore(%arg8 : memref<!tpu.dma_semaphore, #tpu.memory_space<semaphore_mem>>)
    %mul3A_76 = arith.constant 8192 : i32
    %mul3A_77 = arith.muli %select_n3A_54, %mul3A_76 : i32
    %dma_start3A_78 = tpu.memref_slice %arg3[%mul3A_77] : memref<32768xi32, #tpu.memory_space<hbm>> -> memref<8192xi32, #tpu.memory_space<hbm>>
    %dma_start3A_79 = tpu.memref_slice %arg3[%mul3A_77] : memref<32768xi32, #tpu.memory_space<hbm>> -> memref<8192xi32, #tpu.memory_space<hbm>>
    tpu.enqueue_dma source(%dma_start3A_79 : memref<8192xi32, #tpu.memory_space<hbm>>) target(%arg6 : memref<8192xi32, #tpu.memory_space<vmem>>) target_semaphore(%arg8 : memref<!tpu.dma_semaphore, #tpu.memory_space<semaphore_mem>>)
    %dma_wait3A = tpu.memref_slice %arg2[%select_n3A, %mul3A_72] : memref<4x4096xi32, #tpu.memory_space<hbm>> -> memref<1x2048xi32, #tpu.memory_space<hbm>>
    %dma_wait3A_80 = tpu.memref_squeeze %dma_wait3A : memref<1x2048xi32, #tpu.memory_space<hbm>> -> memref<2048xi32, #tpu.memory_space<hbm>>
    %dma_wait3A_81 = tpu.memref_slice %arg2[%select_n3A, %mul3A_72] : memref<4x4096xi32, #tpu.memory_space<hbm>> -> memref<1x2048xi32, #tpu.memory_space<hbm>>
    %dma_wait3A_82 = tpu.memref_squeeze %dma_wait3A_81 : memref<1x2048xi32, #tpu.memory_space<hbm>> -> memref<2048xi32, #tpu.memory_space<hbm>>
    tpu.wait_dma2 semaphore(%arg8 : memref<!tpu.dma_semaphore, #tpu.memory_space<semaphore_mem>>) src(%dma_wait3A_82 : memref<2048xi32, #tpu.memory_space<hbm>>) dst(%arg5 : memref<2048xi32, #tpu.memory_space<vmem>>)
    %dma_wait3A_83 = tpu.memref_slice %arg3[%mul3A_77] : memref<32768xi32, #tpu.memory_space<hbm>> -> memref<8192xi32, #tpu.memory_space<hbm>>
    %dma_wait3A_84 = tpu.memref_slice %arg3[%mul3A_77] : memref<32768xi32, #tpu.memory_space<hbm>> -> memref<8192xi32, #tpu.memory_space<hbm>>
    tpu.wait_dma2 semaphore(%arg8 : memref<!tpu.dma_semaphore, #tpu.memory_space<semaphore_mem>>) src(%dma_wait3A_84 : memref<8192xi32, #tpu.memory_space<hbm>>) dst(%arg6 : memref<8192xi32, #tpu.memory_space<vmem>>)
    %broadcast_in_dim3A = arith.constant -65536 : i32
    %broadcast_in_dim3A_85 = vector.broadcast %broadcast_in_dim3A : i32 to vector<16xi32>
    %parallel_loop3A = arith.constant 0 : i32
    %parallel_loop3A_86 = arith.constant 64 : i32
    %parallel_loop3A_87 = arith.constant 1 : i32
    scf.for %parallel_loop3A_121 = %parallel_loop3A to %parallel_loop3A_86 step %parallel_loop3A_87  : i32 {
      %parallel_loop3A_122 = arith.constant 16 : i32
      %parallel_loop3A_123 = arith.muli %parallel_loop3A_121, %parallel_loop3A_122 : i32
      %parallel_loop3A_124 = arith.index_cast %parallel_loop3A_123 : i32 to index
      %parallel_loop3A_125 = tpu.vector_load %arg5[%parallel_loop3A_124] {strides = array<i32>} : memref<2048xi32, #tpu.memory_space<vmem>>, vector<16xi32>,
      %parallel_loop3A_126 = arith.constant 0 : i32
      %parallel_loop3A_127 = vector.broadcast %parallel_loop3A_126 : i32 to vector<16xi32>
      %parallel_loop3A_128 = arith.addi %parallel_loop3A_125, %parallel_loop3A_127 : vector<16xi32>
      %parallel_loop3A_129 = tpu.vector_load_idx %arg6[%parallel_loop3A_128] : memref<8192xi32, #tpu.memory_space<vmem>>[vector<16xi32>], vector<16xi32>,
      %parallel_loop3A_130 = arith.constant 16 : i32
      %parallel_loop3A_131 = vector.broadcast %parallel_loop3A_130 : i32 to vector<16xi32>
      %parallel_loop3A_132 = arith.shli %parallel_loop3A_129, %parallel_loop3A_131 : vector<16xi32>
      %parallel_loop3A_133 = vector.bitcast %parallel_loop3A_132 : vector<16xi32> to vector<16xf32>
      %parallel_loop3A_134 = arith.andi %parallel_loop3A_129, %broadcast_in_dim3A_85 : vector<16xi32>
      %parallel_loop3A_135 = vector.bitcast %parallel_loop3A_134 : vector<16xi32> to vector<16xf32>
      %parallel_loop3A_136 = arith.constant 16 : i32
      %parallel_loop3A_137 = arith.muli %parallel_loop3A_121, %parallel_loop3A_136 : i32
      %parallel_loop3A_138 = arith.constant 0 : i32
      %parallel_loop3A_139 = arith.index_cast %parallel_loop3A_138 : i32 to index
      %parallel_loop3A_140 = arith.index_cast %parallel_loop3A_137 : i32 to index
      %parallel_loop3A_141 = tpu.vector_load %arg7[%parallel_loop3A_139, %parallel_loop3A_140] {strides = array<i32>} : memref<16x2048xf32, #tpu.memory_space<vmem>>, vector<16xf32>,
      tpu.vector_store %arg7[%parallel_loop3A_139, %parallel_loop3A_140], %parallel_loop3A_133 {strides = array<i32>} : memref<16x2048xf32, #tpu.memory_space<vmem>>, vector<16xf32>,
      %parallel_loop3A_142 = arith.constant 16 : i32
      %parallel_loop3A_143 = arith.muli %parallel_loop3A_121, %parallel_loop3A_142 : i32
      %parallel_loop3A_144 = arith.constant 1 : i32
      %parallel_loop3A_145 = arith.index_cast %parallel_loop3A_144 : i32 to index
      %parallel_loop3A_146 = arith.index_cast %parallel_loop3A_143 : i32 to index
      %parallel_loop3A_147 = tpu.vector_load %arg7[%parallel_loop3A_145, %parallel_loop3A_146] {strides = array<i32>} : memref<16x2048xf32, #tpu.memory_space<vmem>>, vector<16xf32>,
      tpu.vector_store %arg7[%parallel_loop3A_145, %parallel_loop3A_146], %parallel_loop3A_135 {strides = array<i32>} : memref<16x2048xf32, #tpu.memory_space<vmem>>, vector<16xf32>,
      %parallel_loop3A_148 = arith.constant 1024 : i32
      %parallel_loop3A_149 = vector.broadcast %parallel_loop3A_148 : i32 to vector<16xi32>
      %parallel_loop3A_150 = arith.addi %parallel_loop3A_125, %parallel_loop3A_149 : vector<16xi32>
      %parallel_loop3A_151 = tpu.vector_load_idx %arg6[%parallel_loop3A_150] : memref<8192xi32, #tpu.memory_space<vmem>>[vector<16xi32>], vector<16xi32>,
      %parallel_loop3A_152 = arith.constant 16 : i32
      %parallel_loop3A_153 = vector.broadcast %parallel_loop3A_152 : i32 to vector<16xi32>
      %parallel_loop3A_154 = arith.shli %parallel_loop3A_151, %parallel_loop3A_153 : vector<16xi32>
      %parallel_loop3A_155 = vector.bitcast %parallel_loop3A_154 : vector<16xi32> to vector<16xf32>
      %parallel_loop3A_156 = arith.andi %parallel_loop3A_151, %broadcast_in_dim3A_85 : vector<16xi32>
      %parallel_loop3A_157 = vector.bitcast %parallel_loop3A_156 : vector<16xi32> to vector<16xf32>
      %parallel_loop3A_158 = arith.constant 16 : i32
      %parallel_loop3A_159 = arith.muli %parallel_loop3A_121, %parallel_loop3A_158 : i32
      %parallel_loop3A_160 = arith.constant 2 : i32
      %parallel_loop3A_161 = arith.index_cast %parallel_loop3A_160 : i32 to index
      %parallel_loop3A_162 = arith.index_cast %parallel_loop3A_159 : i32 to index
      %parallel_loop3A_163 = tpu.vector_load %arg7[%parallel_loop3A_161, %parallel_loop3A_162] {strides = array<i32>} : memref<16x2048xf32, #tpu.memory_space<vmem>>, vector<16xf32>,
      tpu.vector_store %arg7[%parallel_loop3A_161, %parallel_loop3A_162], %parallel_loop3A_155 {strides = array<i32>} : memref<16x2048xf32, #tpu.memory_space<vmem>>, vector<16xf32>,
      %parallel_loop3A_164 = arith.constant 16 : i32
      %parallel_loop3A_165 = arith.muli %parallel_loop3A_121, %parallel_loop3A_164 : i32
      %parallel_loop3A_166 = arith.constant 3 : i32
      %parallel_loop3A_167 = arith.index_cast %parallel_loop3A_166 : i32 to index
      %parallel_loop3A_168 = arith.index_cast %parallel_loop3A_165 : i32 to index
      %parallel_loop3A_169 = tpu.vector_load %arg7[%parallel_loop3A_167, %parallel_loop3A_168] {strides = array<i32>} : memref<16x2048xf32, #tpu.memory_space<vmem>>, vector<16xf32>,
      tpu.vector_store %arg7[%parallel_loop3A_167, %parallel_loop3A_168], %parallel_loop3A_157 {strides = array<i32>} : memref<16x2048xf32, #tpu.memory_space<vmem>>, vector<16xf32>,
      %parallel_loop3A_170 = arith.constant 2048 : i32
      %parallel_loop3A_171 = vector.broadcast %parallel_loop3A_170 : i32 to vector<16xi32>
      %parallel_loop3A_172 = arith.addi %parallel_loop3A_125, %parallel_loop3A_171 : vector<16xi32>
      %parallel_loop3A_173 = tpu.vector_load_idx %arg6[%parallel_loop3A_172] : memref<8192xi32, #tpu.memory_space<vmem>>[vector<16xi32>], vector<16xi32>,
      %parallel_loop3A_174 = arith.constant 16 : i32
      %parallel_loop3A_175 = vector.broadcast %parallel_loop3A_174 : i32 to vector<16xi32>
      %parallel_loop3A_176 = arith.shli %parallel_loop3A_173, %parallel_loop3A_175 : vector<16xi32>
      %parallel_loop3A_177 = vector.bitcast %parallel_loop3A_176 : vector<16xi32> to vector<16xf32>
      %parallel_loop3A_178 = arith.andi %parallel_loop3A_173, %broadcast_in_dim3A_85 : vector<16xi32>
      %parallel_loop3A_179 = vector.bitcast %parallel_loop3A_178 : vector<16xi32> to vector<16xf32>
      %parallel_loop3A_180 = arith.constant 16 : i32
      %parallel_loop3A_181 = arith.muli %parallel_loop3A_121, %parallel_loop3A_180 : i32
      %parallel_loop3A_182 = arith.constant 4 : i32
      %parallel_loop3A_183 = arith.index_cast %parallel_loop3A_182 : i32 to index
      %parallel_loop3A_184 = arith.index_cast %parallel_loop3A_181 : i32 to index
      %parallel_loop3A_185 = tpu.vector_load %arg7[%parallel_loop3A_183, %parallel_loop3A_184] {strides = array<i32>} : memref<16x2048xf32, #tpu.memory_space<vmem>>, vector<16xf32>,
      tpu.vector_store %arg7[%parallel_loop3A_183, %parallel_loop3A_184], %parallel_loop3A_177 {strides = array<i32>} : memref<16x2048xf32, #tpu.memory_space<vmem>>, vector<16xf32>,
      %parallel_loop3A_186 = arith.constant 16 : i32
      %parallel_loop3A_187 = arith.muli %parallel_loop3A_121, %parallel_loop3A_186 : i32
      %parallel_loop3A_188 = arith.constant 5 : i32
      %parallel_loop3A_189 = arith.index_cast %parallel_loop3A_188 : i32 to index
      %parallel_loop3A_190 = arith.index_cast %parallel_loop3A_187 : i32 to index
      %parallel_loop3A_191 = tpu.vector_load %arg7[%parallel_loop3A_189, %parallel_loop3A_190] {strides = array<i32>} : memref<16x2048xf32, #tpu.memory_space<vmem>>, vector<16xf32>,
      tpu.vector_store %arg7[%parallel_loop3A_189, %parallel_loop3A_190], %parallel_loop3A_179 {strides = array<i32>} : memref<16x2048xf32, #tpu.memory_space<vmem>>, vector<16xf32>,
      %parallel_loop3A_192 = arith.constant 3072 : i32
      %parallel_loop3A_193 = vector.broadcast %parallel_loop3A_192 : i32 to vector<16xi32>
      %parallel_loop3A_194 = arith.addi %parallel_loop3A_125, %parallel_loop3A_193 : vector<16xi32>
      %parallel_loop3A_195 = tpu.vector_load_idx %arg6[%parallel_loop3A_194] : memref<8192xi32, #tpu.memory_space<vmem>>[vector<16xi32>], vector<16xi32>,
      %parallel_loop3A_196 = arith.constant 16 : i32
      %parallel_loop3A_197 = vector.broadcast %parallel_loop3A_196 : i32 to vector<16xi32>
      %parallel_loop3A_198 = arith.shli %parallel_loop3A_195, %parallel_loop3A_197 : vector<16xi32>
      %parallel_loop3A_199 = vector.bitcast %parallel_loop3A_198 : vector<16xi32> to vector<16xf32>
      %parallel_loop3A_200 = arith.andi %parallel_loop3A_195, %broadcast_in_dim3A_85 : vector<16xi32>
      %parallel_loop3A_201 = vector.bitcast %parallel_loop3A_200 : vector<16xi32> to vector<16xf32>
      %parallel_loop3A_202 = arith.constant 16 : i32
      %parallel_loop3A_203 = arith.muli %parallel_loop3A_121, %parallel_loop3A_202 : i32
      %parallel_loop3A_204 = arith.constant 6 : i32
      %parallel_loop3A_205 = arith.index_cast %parallel_loop3A_204 : i32 to index
      %parallel_loop3A_206 = arith.index_cast %parallel_loop3A_203 : i32 to index
      %parallel_loop3A_207 = tpu.vector_load %arg7[%parallel_loop3A_205, %parallel_loop3A_206] {strides = array<i32>} : memref<16x2048xf32, #tpu.memory_space<vmem>>, vector<16xf32>,
      tpu.vector_store %arg7[%parallel_loop3A_205, %parallel_loop3A_206], %parallel_loop3A_199 {strides = array<i32>} : memref<16x2048xf32, #tpu.memory_space<vmem>>, vector<16xf32>,
      %parallel_loop3A_208 = arith.constant 16 : i32
      %parallel_loop3A_209 = arith.muli %parallel_loop3A_121, %parallel_loop3A_208 : i32
      %parallel_loop3A_210 = arith.constant 7 : i32
      %parallel_loop3A_211 = arith.index_cast %parallel_loop3A_210 : i32 to index
      %parallel_loop3A_212 = arith.index_cast %parallel_loop3A_209 : i32 to index
      %parallel_loop3A_213 = tpu.vector_load %arg7[%parallel_loop3A_211, %parallel_loop3A_212] {strides = array<i32>} : memref<16x2048xf32, #tpu.memory_space<vmem>>, vector<16xf32>,
      tpu.vector_store %arg7[%parallel_loop3A_211, %parallel_loop3A_212], %parallel_loop3A_201 {strides = array<i32>} : memref<16x2048xf32, #tpu.memory_space<vmem>>, vector<16xf32>,
      %parallel_loop3A_214 = arith.constant 4096 : i32
      %parallel_loop3A_215 = vector.broadcast %parallel_loop3A_214 : i32 to vector<16xi32>
      %parallel_loop3A_216 = arith.addi %parallel_loop3A_125, %parallel_loop3A_215 : vector<16xi32>
      %parallel_loop3A_217 = tpu.vector_load_idx %arg6[%parallel_loop3A_216] : memref<8192xi32, #tpu.memory_space<vmem>>[vector<16xi32>], vector<16xi32>,
      %parallel_loop3A_218 = arith.constant 16 : i32
      %parallel_loop3A_219 = vector.broadcast %parallel_loop3A_218 : i32 to vector<16xi32>
      %parallel_loop3A_220 = arith.shli %parallel_loop3A_217, %parallel_loop3A_219 : vector<16xi32>
      %parallel_loop3A_221 = vector.bitcast %parallel_loop3A_220 : vector<16xi32> to vector<16xf32>
      %parallel_loop3A_222 = arith.andi %parallel_loop3A_217, %broadcast_in_dim3A_85 : vector<16xi32>
      %parallel_loop3A_223 = vector.bitcast %parallel_loop3A_222 : vector<16xi32> to vector<16xf32>
      %parallel_loop3A_224 = arith.constant 16 : i32
      %parallel_loop3A_225 = arith.muli %parallel_loop3A_121, %parallel_loop3A_224 : i32
      %parallel_loop3A_226 = arith.constant 8 : i32
      %parallel_loop3A_227 = arith.index_cast %parallel_loop3A_226 : i32 to index
      %parallel_loop3A_228 = arith.index_cast %parallel_loop3A_225 : i32 to index
      %parallel_loop3A_229 = tpu.vector_load %arg7[%parallel_loop3A_227, %parallel_loop3A_228] {strides = array<i32>} : memref<16x2048xf32, #tpu.memory_space<vmem>>, vector<16xf32>,
      tpu.vector_store %arg7[%parallel_loop3A_227, %parallel_loop3A_228], %parallel_loop3A_221 {strides = array<i32>} : memref<16x2048xf32, #tpu.memory_space<vmem>>, vector<16xf32>,
      %parallel_loop3A_230 = arith.constant 16 : i32
      %parallel_loop3A_231 = arith.muli %parallel_loop3A_121, %parallel_loop3A_230 : i32
      %parallel_loop3A_232 = arith.constant 9 : i32
      %parallel_loop3A_233 = arith.index_cast %parallel_loop3A_232 : i32 to index
      %parallel_loop3A_234 = arith.index_cast %parallel_loop3A_231 : i32 to index
      %parallel_loop3A_235 = tpu.vector_load %arg7[%parallel_loop3A_233, %parallel_loop3A_234] {strides = array<i32>} : memref<16x2048xf32, #tpu.memory_space<vmem>>, vector<16xf32>,
      tpu.vector_store %arg7[%parallel_loop3A_233, %parallel_loop3A_234], %parallel_loop3A_223 {strides = array<i32>} : memref<16x2048xf32, #tpu.memory_space<vmem>>, vector<16xf32>,
      %parallel_loop3A_236 = arith.constant 5120 : i32
      %parallel_loop3A_237 = vector.broadcast %parallel_loop3A_236 : i32 to vector<16xi32>
      %parallel_loop3A_238 = arith.addi %parallel_loop3A_125, %parallel_loop3A_237 : vector<16xi32>
      %parallel_loop3A_239 = tpu.vector_load_idx %arg6[%parallel_loop3A_238] : memref<8192xi32, #tpu.memory_space<vmem>>[vector<16xi32>], vector<16xi32>,
      %parallel_loop3A_240 = arith.constant 16 : i32
      %parallel_loop3A_241 = vector.broadcast %parallel_loop3A_240 : i32 to vector<16xi32>
      %parallel_loop3A_242 = arith.shli %parallel_loop3A_239, %parallel_loop3A_241 : vector<16xi32>
      %parallel_loop3A_243 = vector.bitcast %parallel_loop3A_242 : vector<16xi32> to vector<16xf32>
      %parallel_loop3A_244 = arith.andi %parallel_loop3A_239, %broadcast_in_dim3A_85 : vector<16xi32>
      %parallel_loop3A_245 = vector.bitcast %parallel_loop3A_244 : vector<16xi32> to vector<16xf32>
      %parallel_loop3A_246 = arith.constant 16 : i32
      %parallel_loop3A_247 = arith.muli %parallel_loop3A_121, %parallel_loop3A_246 : i32
      %parallel_loop3A_248 = arith.constant 10 : i32
      %parallel_loop3A_249 = arith.index_cast %parallel_loop3A_248 : i32 to index
      %parallel_loop3A_250 = arith.index_cast %parallel_loop3A_247 : i32 to index
      %parallel_loop3A_251 = tpu.vector_load %arg7[%parallel_loop3A_249, %parallel_loop3A_250] {strides = array<i32>} : memref<16x2048xf32, #tpu.memory_space<vmem>>, vector<16xf32>,
      tpu.vector_store %arg7[%parallel_loop3A_249, %parallel_loop3A_250], %parallel_loop3A_243 {strides = array<i32>} : memref<16x2048xf32, #tpu.memory_space<vmem>>, vector<16xf32>,
      %parallel_loop3A_252 = arith.constant 16 : i32
      %parallel_loop3A_253 = arith.muli %parallel_loop3A_121, %parallel_loop3A_252 : i32
      %parallel_loop3A_254 = arith.constant 11 : i32
      %parallel_loop3A_255 = arith.index_cast %parallel_loop3A_254 : i32 to index
      %parallel_loop3A_256 = arith.index_cast %parallel_loop3A_253 : i32 to index
      %parallel_loop3A_257 = tpu.vector_load %arg7[%parallel_loop3A_255, %parallel_loop3A_256] {strides = array<i32>} : memref<16x2048xf32, #tpu.memory_space<vmem>>, vector<16xf32>,
      tpu.vector_store %arg7[%parallel_loop3A_255, %parallel_loop3A_256], %parallel_loop3A_245 {strides = array<i32>} : memref<16x2048xf32, #tpu.memory_space<vmem>>, vector<16xf32>,
      %parallel_loop3A_258 = arith.constant 6144 : i32
      %parallel_loop3A_259 = vector.broadcast %parallel_loop3A_258 : i32 to vector<16xi32>
      %parallel_loop3A_260 = arith.addi %parallel_loop3A_125, %parallel_loop3A_259 : vector<16xi32>
      %parallel_loop3A_261 = tpu.vector_load_idx %arg6[%parallel_loop3A_260] : memref<8192xi32, #tpu.memory_space<vmem>>[vector<16xi32>], vector<16xi32>,
      %parallel_loop3A_262 = arith.constant 16 : i32
      %parallel_loop3A_263 = vector.broadcast %parallel_loop3A_262 : i32 to vector<16xi32>
      %parallel_loop3A_264 = arith.shli %parallel_loop3A_261, %parallel_loop3A_263 : vector<16xi32>
      %parallel_loop3A_265 = vector.bitcast %parallel_loop3A_264 : vector<16xi32> to vector<16xf32>
      %parallel_loop3A_266 = arith.andi %parallel_loop3A_261, %broadcast_in_dim3A_85 : vector<16xi32>
      %parallel_loop3A_267 = vector.bitcast %parallel_loop3A_266 : vector<16xi32> to vector<16xf32>
      %parallel_loop3A_268 = arith.constant 16 : i32
      %parallel_loop3A_269 = arith.muli %parallel_loop3A_121, %parallel_loop3A_268 : i32
      %parallel_loop3A_270 = arith.constant 12 : i32
      %parallel_loop3A_271 = arith.index_cast %parallel_loop3A_270 : i32 to index
      %parallel_loop3A_272 = arith.index_cast %parallel_loop3A_269 : i32 to index
      %parallel_loop3A_273 = tpu.vector_load %arg7[%parallel_loop3A_271, %parallel_loop3A_272] {strides = array<i32>} : memref<16x2048xf32, #tpu.memory_space<vmem>>, vector<16xf32>,
      tpu.vector_store %arg7[%parallel_loop3A_271, %parallel_loop3A_272], %parallel_loop3A_265 {strides = array<i32>} : memref<16x2048xf32, #tpu.memory_space<vmem>>, vector<16xf32>,
      %parallel_loop3A_274 = arith.constant 16 : i32
      %parallel_loop3A_275 = arith.muli %parallel_loop3A_121, %parallel_loop3A_274 : i32
      %parallel_loop3A_276 = arith.constant 13 : i32
      %parallel_loop3A_277 = arith.index_cast %parallel_loop3A_276 : i32 to index
      %parallel_loop3A_278 = arith.index_cast %parallel_loop3A_275 : i32 to index
      %parallel_loop3A_279 = tpu.vector_load %arg7[%parallel_loop3A_277, %parallel_loop3A_278] {strides = array<i32>} : memref<16x2048xf32, #tpu.memory_space<vmem>>, vector<16xf32>,
      tpu.vector_store %arg7[%parallel_loop3A_277, %parallel_loop3A_278], %parallel_loop3A_267 {strides = array<i32>} : memref<16x2048xf32, #tpu.memory_space<vmem>>, vector<16xf32>,
      %parallel_loop3A_280 = arith.constant 7168 : i32
      %parallel_loop3A_281 = vector.broadcast %parallel_loop3A_280 : i32 to vector<16xi32>
      %parallel_loop3A_282 = arith.addi %parallel_loop3A_125, %parallel_loop3A_281 : vector<16xi32>
      %parallel_loop3A_283 = tpu.vector_load_idx %arg6[%parallel_loop3A_282] : memref<8192xi32, #tpu.memory_space<vmem>>[vector<16xi32>], vector<16xi32>,
      %parallel_loop3A_284 = arith.constant 16 : i32
      %parallel_loop3A_285 = vector.broadcast %parallel_loop3A_284 : i32 to vector<16xi32>
      %parallel_loop3A_286 = arith.shli %parallel_loop3A_283, %parallel_loop3A_285 : vector<16xi32>
      %parallel_loop3A_287 = vector.bitcast %parallel_loop3A_286 : vector<16xi32> to vector<16xf32>
      %parallel_loop3A_288 = arith.andi %parallel_loop3A_283, %broadcast_in_dim3A_85 : vector<16xi32>
      %parallel_loop3A_289 = vector.bitcast %parallel_loop3A_288 : vector<16xi32> to vector<16xf32>
      %parallel_loop3A_290 = arith.constant 16 : i32
      %parallel_loop3A_291 = arith.muli %parallel_loop3A_121, %parallel_loop3A_290 : i32
      %parallel_loop3A_292 = arith.constant 14 : i32
      %parallel_loop3A_293 = arith.index_cast %parallel_loop3A_292 : i32 to index
      %parallel_loop3A_294 = arith.index_cast %parallel_loop3A_291 : i32 to index
      %parallel_loop3A_295 = tpu.vector_load %arg7[%parallel_loop3A_293, %parallel_loop3A_294] {strides = array<i32>} : memref<16x2048xf32, #tpu.memory_space<vmem>>, vector<16xf32>,
      tpu.vector_store %arg7[%parallel_loop3A_293, %parallel_loop3A_294], %parallel_loop3A_287 {strides = array<i32>} : memref<16x2048xf32, #tpu.memory_space<vmem>>, vector<16xf32>,
      %parallel_loop3A_296 = arith.constant 16 : i32
      %parallel_loop3A_297 = arith.muli %parallel_loop3A_121, %parallel_loop3A_296 : i32
      %parallel_loop3A_298 = arith.constant 15 : i32
      %parallel_loop3A_299 = arith.index_cast %parallel_loop3A_298 : i32 to index
      %parallel_loop3A_300 = arith.index_cast %parallel_loop3A_297 : i32 to index
      %parallel_loop3A_301 = tpu.vector_load %arg7[%parallel_loop3A_299, %parallel_loop3A_300] {strides = array<i32>} : memref<16x2048xf32, #tpu.memory_space<vmem>>, vector<16xf32>,
      tpu.vector_store %arg7[%parallel_loop3A_299, %parallel_loop3A_300], %parallel_loop3A_289 {strides = array<i32>} : memref<16x2048xf32, #tpu.memory_space<vmem>>, vector<16xf32>,
    } {sc.loop_unroll_factor = 4 : i64, sc.parallel_access}
    %mul3A_88 = arith.constant 16 : i32
    %mul3A_89 = arith.muli %select_n3A_54, %mul3A_88 : i32
    %mul3A_90 = arith.constant 2048 : i32
    %mul3A_91 = arith.muli %select_n3A_70, %mul3A_90 : i32
    %dma_start3A_92 = arith.constant 0 : i32
    %dma_start3A_93 = arith.constant 0 : i32
    %dma_start3A_94 = tpu.memref_slice %arg7[%dma_start3A_92, %dma_start3A_93] : memref<16x2048xf32, #tpu.memory_space<vmem>> -> memref<16x1024xf32, #tpu.memory_space<vmem>>
    %dma_start3A_95 = tpu.memref_slice %arg4[%select_n3A, %mul3A_89, %mul3A_91] : memref<4x64x4096xf32, #tpu.memory_space<hbm>> -> memref<1x16x1024xf32, #tpu.memory_space<hbm>>
    %dma_start3A_96 = tpu.memref_squeeze %dma_start3A_95 : memref<1x16x1024xf32, #tpu.memory_space<hbm>> -> memref<16x1024xf32, #tpu.memory_space<hbm>>
    %dma_start3A_97 = tpu.memref_slice %arg4[%select_n3A, %mul3A_89, %mul3A_91] : memref<4x64x4096xf32, #tpu.memory_space<hbm>> -> memref<1x16x1024xf32, #tpu.memory_space<hbm>>
    %dma_start3A_98 = tpu.memref_squeeze %dma_start3A_97 : memref<1x16x1024xf32, #tpu.memory_space<hbm>> -> memref<16x1024xf32, #tpu.memory_space<hbm>>
    %dma_start3A_99 = arith.constant 0 : i32
    %dma_start3A_100 = arith.constant 0 : i32
    %dma_start3A_101 = tpu.memref_slice %arg7[%dma_start3A_99, %dma_start3A_100] : memref<16x2048xf32, #tpu.memory_space<vmem>> -> memref<16x1024xf32, #tpu.memory_space<vmem>>
    tpu.enqueue_dma source(%dma_start3A_101 : memref<16x1024xf32, #tpu.memory_space<vmem>>) target(%dma_start3A_98 : memref<16x1024xf32, #tpu.memory_space<hbm>>) target_semaphore(%arg9 : memref<!tpu.dma_semaphore, #tpu.memory_space<semaphore_mem>>)
    %parallel_loop3A_102 = arith.constant 64 : i32
    %parallel_loop3A_103 = arith.constant 128 : i32
    %parallel_loop3A_104 = arith.constant 1 : i32
    scf.for %parallel_loop3A_121 = %parallel_loop3A_102 to %parallel_loop3A_103 step %parallel_loop3A_104  : i32 {
      %parallel_loop3A_122 = arith.constant 16 : i32
      %parallel_loop3A_123 = arith.muli %parallel_loop3A_121, %parallel_loop3A_122 : i32
      %parallel_loop3A_124 = arith.index_cast %parallel_loop3A_123 : i32 to index
      %parallel_loop3A_125 = tpu.vector_load %arg5[%parallel_loop3A_124] {strides = array<i32>} : memref<2048xi32, #tpu.memory_space<vmem>>, vector<16xi32>,
      %parallel_loop3A_126 = arith.constant 0 : i32
      %parallel_loop3A_127 = vector.broadcast %parallel_loop3A_126 : i32 to vector<16xi32>
      %parallel_loop3A_128 = arith.addi %parallel_loop3A_125, %parallel_loop3A_127 : vector<16xi32>
      %parallel_loop3A_129 = tpu.vector_load_idx %arg6[%parallel_loop3A_128] : memref<8192xi32, #tpu.memory_space<vmem>>[vector<16xi32>], vector<16xi32>,
      %parallel_loop3A_130 = arith.constant 16 : i32
      %parallel_loop3A_131 = vector.broadcast %parallel_loop3A_130 : i32 to vector<16xi32>
      %parallel_loop3A_132 = arith.shli %parallel_loop3A_129, %parallel_loop3A_131 : vector<16xi32>
      %parallel_loop3A_133 = vector.bitcast %parallel_loop3A_132 : vector<16xi32> to vector<16xf32>
      %parallel_loop3A_134 = arith.andi %parallel_loop3A_129, %broadcast_in_dim3A_85 : vector<16xi32>
      %parallel_loop3A_135 = vector.bitcast %parallel_loop3A_134 : vector<16xi32> to vector<16xf32>
      %parallel_loop3A_136 = arith.constant 16 : i32
      %parallel_loop3A_137 = arith.muli %parallel_loop3A_121, %parallel_loop3A_136 : i32
      %parallel_loop3A_138 = arith.constant 0 : i32
      %parallel_loop3A_139 = arith.index_cast %parallel_loop3A_138 : i32 to index
      %parallel_loop3A_140 = arith.index_cast %parallel_loop3A_137 : i32 to index
      %parallel_loop3A_141 = tpu.vector_load %arg7[%parallel_loop3A_139, %parallel_loop3A_140] {strides = array<i32>} : memref<16x2048xf32, #tpu.memory_space<vmem>>, vector<16xf32>,
      tpu.vector_store %arg7[%parallel_loop3A_139, %parallel_loop3A_140], %parallel_loop3A_133 {strides = array<i32>} : memref<16x2048xf32, #tpu.memory_space<vmem>>, vector<16xf32>,
      %parallel_loop3A_142 = arith.constant 16 : i32
      %parallel_loop3A_143 = arith.muli %parallel_loop3A_121, %parallel_loop3A_142 : i32
      %parallel_loop3A_144 = arith.constant 1 : i32
      %parallel_loop3A_145 = arith.index_cast %parallel_loop3A_144 : i32 to index
      %parallel_loop3A_146 = arith.index_cast %parallel_loop3A_143 : i32 to index
      %parallel_loop3A_147 = tpu.vector_load %arg7[%parallel_loop3A_145, %parallel_loop3A_146] {strides = array<i32>} : memref<16x2048xf32, #tpu.memory_space<vmem>>, vector<16xf32>,
      tpu.vector_store %arg7[%parallel_loop3A_145, %parallel_loop3A_146], %parallel_loop3A_135 {strides = array<i32>} : memref<16x2048xf32, #tpu.memory_space<vmem>>, vector<16xf32>,
      %parallel_loop3A_148 = arith.constant 1024 : i32
      %parallel_loop3A_149 = vector.broadcast %parallel_loop3A_148 : i32 to vector<16xi32>
      %parallel_loop3A_150 = arith.addi %parallel_loop3A_125, %parallel_loop3A_149 : vector<16xi32>
      %parallel_loop3A_151 = tpu.vector_load_idx %arg6[%parallel_loop3A_150] : memref<8192xi32, #tpu.memory_space<vmem>>[vector<16xi32>], vector<16xi32>,
      %parallel_loop3A_152 = arith.constant 16 : i32
      %parallel_loop3A_153 = vector.broadcast %parallel_loop3A_152 : i32 to vector<16xi32>
      %parallel_loop3A_154 = arith.shli %parallel_loop3A_151, %parallel_loop3A_153 : vector<16xi32>
      %parallel_loop3A_155 = vector.bitcast %parallel_loop3A_154 : vector<16xi32> to vector<16xf32>
      %parallel_loop3A_156 = arith.andi %parallel_loop3A_151, %broadcast_in_dim3A_85 : vector<16xi32>
      %parallel_loop3A_157 = vector.bitcast %parallel_loop3A_156 : vector<16xi32> to vector<16xf32>
      %parallel_loop3A_158 = arith.constant 16 : i32
      %parallel_loop3A_159 = arith.muli %parallel_loop3A_121, %parallel_loop3A_158 : i32
      %parallel_loop3A_160 = arith.constant 2 : i32
      %parallel_loop3A_161 = arith.index_cast %parallel_loop3A_160 : i32 to index
      %parallel_loop3A_162 = arith.index_cast %parallel_loop3A_159 : i32 to index
      %parallel_loop3A_163 = tpu.vector_load %arg7[%parallel_loop3A_161, %parallel_loop3A_162] {strides = array<i32>} : memref<16x2048xf32, #tpu.memory_space<vmem>>, vector<16xf32>,
      tpu.vector_store %arg7[%parallel_loop3A_161, %parallel_loop3A_162], %parallel_loop3A_155 {strides = array<i32>} : memref<16x2048xf32, #tpu.memory_space<vmem>>, vector<16xf32>,
      %parallel_loop3A_164 = arith.constant 16 : i32
      %parallel_loop3A_165 = arith.muli %parallel_loop3A_121, %parallel_loop3A_164 : i32
      %parallel_loop3A_166 = arith.constant 3 : i32
      %parallel_loop3A_167 = arith.index_cast %parallel_loop3A_166 : i32 to index
      %parallel_loop3A_168 = arith.index_cast %parallel_loop3A_165 : i32 to index
      %parallel_loop3A_169 = tpu.vector_load %arg7[%parallel_loop3A_167, %parallel_loop3A_168] {strides = array<i32>} : memref<16x2048xf32, #tpu.memory_space<vmem>>, vector<16xf32>,
      tpu.vector_store %arg7[%parallel_loop3A_167, %parallel_loop3A_168], %parallel_loop3A_157 {strides = array<i32>} : memref<16x2048xf32, #tpu.memory_space<vmem>>, vector<16xf32>,
      %parallel_loop3A_170 = arith.constant 2048 : i32
      %parallel_loop3A_171 = vector.broadcast %parallel_loop3A_170 : i32 to vector<16xi32>
      %parallel_loop3A_172 = arith.addi %parallel_loop3A_125, %parallel_loop3A_171 : vector<16xi32>
      %parallel_loop3A_173 = tpu.vector_load_idx %arg6[%parallel_loop3A_172] : memref<8192xi32, #tpu.memory_space<vmem>>[vector<16xi32>], vector<16xi32>,
      %parallel_loop3A_174 = arith.constant 16 : i32
      %parallel_loop3A_175 = vector.broadcast %parallel_loop3A_174 : i32 to vector<16xi32>
      %parallel_loop3A_176 = arith.shli %parallel_loop3A_173, %parallel_loop3A_175 : vector<16xi32>
      %parallel_loop3A_177 = vector.bitcast %parallel_loop3A_176 : vector<16xi32> to vector<16xf32>
      %parallel_loop3A_178 = arith.andi %parallel_loop3A_173, %broadcast_in_dim3A_85 : vector<16xi32>
      %parallel_loop3A_179 = vector.bitcast %parallel_loop3A_178 : vector<16xi32> to vector<16xf32>
      %parallel_loop3A_180 = arith.constant 16 : i32
      %parallel_loop3A_181 = arith.muli %parallel_loop3A_121, %parallel_loop3A_180 : i32
      %parallel_loop3A_182 = arith.constant 4 : i32
      %parallel_loop3A_183 = arith.index_cast %parallel_loop3A_182 : i32 to index
      %parallel_loop3A_184 = arith.index_cast %parallel_loop3A_181 : i32 to index
      %parallel_loop3A_185 = tpu.vector_load %arg7[%parallel_loop3A_183, %parallel_loop3A_184] {strides = array<i32>} : memref<16x2048xf32, #tpu.memory_space<vmem>>, vector<16xf32>,
      tpu.vector_store %arg7[%parallel_loop3A_183, %parallel_loop3A_184], %parallel_loop3A_177 {strides = array<i32>} : memref<16x2048xf32, #tpu.memory_space<vmem>>, vector<16xf32>,
      %parallel_loop3A_186 = arith.constant 16 : i32
      %parallel_loop3A_187 = arith.muli %parallel_loop3A_121, %parallel_loop3A_186 : i32
      %parallel_loop3A_188 = arith.constant 5 : i32
      %parallel_loop3A_189 = arith.index_cast %parallel_loop3A_188 : i32 to index
      %parallel_loop3A_190 = arith.index_cast %parallel_loop3A_187 : i32 to index
      %parallel_loop3A_191 = tpu.vector_load %arg7[%parallel_loop3A_189, %parallel_loop3A_190] {strides = array<i32>} : memref<16x2048xf32, #tpu.memory_space<vmem>>, vector<16xf32>,
      tpu.vector_store %arg7[%parallel_loop3A_189, %parallel_loop3A_190], %parallel_loop3A_179 {strides = array<i32>} : memref<16x2048xf32, #tpu.memory_space<vmem>>, vector<16xf32>,
      %parallel_loop3A_192 = arith.constant 3072 : i32
      %parallel_loop3A_193 = vector.broadcast %parallel_loop3A_192 : i32 to vector<16xi32>
      %parallel_loop3A_194 = arith.addi %parallel_loop3A_125, %parallel_loop3A_193 : vector<16xi32>
      %parallel_loop3A_195 = tpu.vector_load_idx %arg6[%parallel_loop3A_194] : memref<8192xi32, #tpu.memory_space<vmem>>[vector<16xi32>], vector<16xi32>,
      %parallel_loop3A_196 = arith.constant 16 : i32
      %parallel_loop3A_197 = vector.broadcast %parallel_loop3A_196 : i32 to vector<16xi32>
      %parallel_loop3A_198 = arith.shli %parallel_loop3A_195, %parallel_loop3A_197 : vector<16xi32>
      %parallel_loop3A_199 = vector.bitcast %parallel_loop3A_198 : vector<16xi32> to vector<16xf32>
      %parallel_loop3A_200 = arith.andi %parallel_loop3A_195, %broadcast_in_dim3A_85 : vector<16xi32>
      %parallel_loop3A_201 = vector.bitcast %parallel_loop3A_200 : vector<16xi32> to vector<16xf32>
      %parallel_loop3A_202 = arith.constant 16 : i32
      %parallel_loop3A_203 = arith.muli %parallel_loop3A_121, %parallel_loop3A_202 : i32
      %parallel_loop3A_204 = arith.constant 6 : i32
      %parallel_loop3A_205 = arith.index_cast %parallel_loop3A_204 : i32 to index
      %parallel_loop3A_206 = arith.index_cast %parallel_loop3A_203 : i32 to index
      %parallel_loop3A_207 = tpu.vector_load %arg7[%parallel_loop3A_205, %parallel_loop3A_206] {strides = array<i32>} : memref<16x2048xf32, #tpu.memory_space<vmem>>, vector<16xf32>,
      tpu.vector_store %arg7[%parallel_loop3A_205, %parallel_loop3A_206], %parallel_loop3A_199 {strides = array<i32>} : memref<16x2048xf32, #tpu.memory_space<vmem>>, vector<16xf32>,
      %parallel_loop3A_208 = arith.constant 16 : i32
      %parallel_loop3A_209 = arith.muli %parallel_loop3A_121, %parallel_loop3A_208 : i32
      %parallel_loop3A_210 = arith.constant 7 : i32
      %parallel_loop3A_211 = arith.index_cast %parallel_loop3A_210 : i32 to index
      %parallel_loop3A_212 = arith.index_cast %parallel_loop3A_209 : i32 to index
      %parallel_loop3A_213 = tpu.vector_load %arg7[%parallel_loop3A_211, %parallel_loop3A_212] {strides = array<i32>} : memref<16x2048xf32, #tpu.memory_space<vmem>>, vector<16xf32>,
      tpu.vector_store %arg7[%parallel_loop3A_211, %parallel_loop3A_212], %parallel_loop3A_201 {strides = array<i32>} : memref<16x2048xf32, #tpu.memory_space<vmem>>, vector<16xf32>,
      %parallel_loop3A_214 = arith.constant 4096 : i32
      %parallel_loop3A_215 = vector.broadcast %parallel_loop3A_214 : i32 to vector<16xi32>
      %parallel_loop3A_216 = arith.addi %parallel_loop3A_125, %parallel_loop3A_215 : vector<16xi32>
      %parallel_loop3A_217 = tpu.vector_load_idx %arg6[%parallel_loop3A_216] : memref<8192xi32, #tpu.memory_space<vmem>>[vector<16xi32>], vector<16xi32>,
      %parallel_loop3A_218 = arith.constant 16 : i32
      %parallel_loop3A_219 = vector.broadcast %parallel_loop3A_218 : i32 to vector<16xi32>
      %parallel_loop3A_220 = arith.shli %parallel_loop3A_217, %parallel_loop3A_219 : vector<16xi32>
      %parallel_loop3A_221 = vector.bitcast %parallel_loop3A_220 : vector<16xi32> to vector<16xf32>
      %parallel_loop3A_222 = arith.andi %parallel_loop3A_217, %broadcast_in_dim3A_85 : vector<16xi32>
      %parallel_loop3A_223 = vector.bitcast %parallel_loop3A_222 : vector<16xi32> to vector<16xf32>
      %parallel_loop3A_224 = arith.constant 16 : i32
      %parallel_loop3A_225 = arith.muli %parallel_loop3A_121, %parallel_loop3A_224 : i32
      %parallel_loop3A_226 = arith.constant 8 : i32
      %parallel_loop3A_227 = arith.index_cast %parallel_loop3A_226 : i32 to index
      %parallel_loop3A_228 = arith.index_cast %parallel_loop3A_225 : i32 to index
      %parallel_loop3A_229 = tpu.vector_load %arg7[%parallel_loop3A_227, %parallel_loop3A_228] {strides = array<i32>} : memref<16x2048xf32, #tpu.memory_space<vmem>>, vector<16xf32>,
      tpu.vector_store %arg7[%parallel_loop3A_227, %parallel_loop3A_228], %parallel_loop3A_221 {strides = array<i32>} : memref<16x2048xf32, #tpu.memory_space<vmem>>, vector<16xf32>,
      %parallel_loop3A_230 = arith.constant 16 : i32
      %parallel_loop3A_231 = arith.muli %parallel_loop3A_121, %parallel_loop3A_230 : i32
      %parallel_loop3A_232 = arith.constant 9 : i32
      %parallel_loop3A_233 = arith.index_cast %parallel_loop3A_232 : i32 to index
      %parallel_loop3A_234 = arith.index_cast %parallel_loop3A_231 : i32 to index
      %parallel_loop3A_235 = tpu.vector_load %arg7[%parallel_loop3A_233, %parallel_loop3A_234] {strides = array<i32>} : memref<16x2048xf32, #tpu.memory_space<vmem>>, vector<16xf32>,
      tpu.vector_store %arg7[%parallel_loop3A_233, %parallel_loop3A_234], %parallel_loop3A_223 {strides = array<i32>} : memref<16x2048xf32, #tpu.memory_space<vmem>>, vector<16xf32>,
      %parallel_loop3A_236 = arith.constant 5120 : i32
      %parallel_loop3A_237 = vector.broadcast %parallel_loop3A_236 : i32 to vector<16xi32>
      %parallel_loop3A_238 = arith.addi %parallel_loop3A_125, %parallel_loop3A_237 : vector<16xi32>
      %parallel_loop3A_239 = tpu.vector_load_idx %arg6[%parallel_loop3A_238] : memref<8192xi32, #tpu.memory_space<vmem>>[vector<16xi32>], vector<16xi32>,
      %parallel_loop3A_240 = arith.constant 16 : i32
      %parallel_loop3A_241 = vector.broadcast %parallel_loop3A_240 : i32 to vector<16xi32>
      %parallel_loop3A_242 = arith.shli %parallel_loop3A_239, %parallel_loop3A_241 : vector<16xi32>
      %parallel_loop3A_243 = vector.bitcast %parallel_loop3A_242 : vector<16xi32> to vector<16xf32>
      %parallel_loop3A_244 = arith.andi %parallel_loop3A_239, %broadcast_in_dim3A_85 : vector<16xi32>
      %parallel_loop3A_245 = vector.bitcast %parallel_loop3A_244 : vector<16xi32> to vector<16xf32>
      %parallel_loop3A_246 = arith.constant 16 : i32
      %parallel_loop3A_247 = arith.muli %parallel_loop3A_121, %parallel_loop3A_246 : i32
      %parallel_loop3A_248 = arith.constant 10 : i32
      %parallel_loop3A_249 = arith.index_cast %parallel_loop3A_248 : i32 to index
      %parallel_loop3A_250 = arith.index_cast %parallel_loop3A_247 : i32 to index
      %parallel_loop3A_251 = tpu.vector_load %arg7[%parallel_loop3A_249, %parallel_loop3A_250] {strides = array<i32>} : memref<16x2048xf32, #tpu.memory_space<vmem>>, vector<16xf32>,
      tpu.vector_store %arg7[%parallel_loop3A_249, %parallel_loop3A_250], %parallel_loop3A_243 {strides = array<i32>} : memref<16x2048xf32, #tpu.memory_space<vmem>>, vector<16xf32>,
      %parallel_loop3A_252 = arith.constant 16 : i32
      %parallel_loop3A_253 = arith.muli %parallel_loop3A_121, %parallel_loop3A_252 : i32
      %parallel_loop3A_254 = arith.constant 11 : i32
      %parallel_loop3A_255 = arith.index_cast %parallel_loop3A_254 : i32 to index
      %parallel_loop3A_256 = arith.index_cast %parallel_loop3A_253 : i32 to index
      %parallel_loop3A_257 = tpu.vector_load %arg7[%parallel_loop3A_255, %parallel_loop3A_256] {strides = array<i32>} : memref<16x2048xf32, #tpu.memory_space<vmem>>, vector<16xf32>,
      tpu.vector_store %arg7[%parallel_loop3A_255, %parallel_loop3A_256], %parallel_loop3A_245 {strides = array<i32>} : memref<16x2048xf32, #tpu.memory_space<vmem>>, vector<16xf32>,
      %parallel_loop3A_258 = arith.constant 6144 : i32
      %parallel_loop3A_259 = vector.broadcast %parallel_loop3A_258 : i32 to vector<16xi32>
      %parallel_loop3A_260 = arith.addi %parallel_loop3A_125, %parallel_loop3A_259 : vector<16xi32>
      %parallel_loop3A_261 = tpu.vector_load_idx %arg6[%parallel_loop3A_260] : memref<8192xi32, #tpu.memory_space<vmem>>[vector<16xi32>], vector<16xi32>,
      %parallel_loop3A_262 = arith.constant 16 : i32
      %parallel_loop3A_263 = vector.broadcast %parallel_loop3A_262 : i32 to vector<16xi32>
      %parallel_loop3A_264 = arith.shli %parallel_loop3A_261, %parallel_loop3A_263 : vector<16xi32>
      %parallel_loop3A_265 = vector.bitcast %parallel_loop3A_264 : vector<16xi32> to vector<16xf32>
      %parallel_loop3A_266 = arith.andi %parallel_loop3A_261, %broadcast_in_dim3A_85 : vector<16xi32>
      %parallel_loop3A_267 = vector.bitcast %parallel_loop3A_266 : vector<16xi32> to vector<16xf32>
      %parallel_loop3A_268 = arith.constant 16 : i32
      %parallel_loop3A_269 = arith.muli %parallel_loop3A_121, %parallel_loop3A_268 : i32
      %parallel_loop3A_270 = arith.constant 12 : i32
      %parallel_loop3A_271 = arith.index_cast %parallel_loop3A_270 : i32 to index
      %parallel_loop3A_272 = arith.index_cast %parallel_loop3A_269 : i32 to index
      %parallel_loop3A_273 = tpu.vector_load %arg7[%parallel_loop3A_271, %parallel_loop3A_272] {strides = array<i32>} : memref<16x2048xf32, #tpu.memory_space<vmem>>, vector<16xf32>,
      tpu.vector_store %arg7[%parallel_loop3A_271, %parallel_loop3A_272], %parallel_loop3A_265 {strides = array<i32>} : memref<16x2048xf32, #tpu.memory_space<vmem>>, vector<16xf32>,
      %parallel_loop3A_274 = arith.constant 16 : i32
      %parallel_loop3A_275 = arith.muli %parallel_loop3A_121, %parallel_loop3A_274 : i32
      %parallel_loop3A_276 = arith.constant 13 : i32
      %parallel_loop3A_277 = arith.index_cast %parallel_loop3A_276 : i32 to index
      %parallel_loop3A_278 = arith.index_cast %parallel_loop3A_275 : i32 to index
      %parallel_loop3A_279 = tpu.vector_load %arg7[%parallel_loop3A_277, %parallel_loop3A_278] {strides = array<i32>} : memref<16x2048xf32, #tpu.memory_space<vmem>>, vector<16xf32>,
      tpu.vector_store %arg7[%parallel_loop3A_277, %parallel_loop3A_278], %parallel_loop3A_267 {strides = array<i32>} : memref<16x2048xf32, #tpu.memory_space<vmem>>, vector<16xf32>,
      %parallel_loop3A_280 = arith.constant 7168 : i32
      %parallel_loop3A_281 = vector.broadcast %parallel_loop3A_280 : i32 to vector<16xi32>
      %parallel_loop3A_282 = arith.addi %parallel_loop3A_125, %parallel_loop3A_281 : vector<16xi32>
      %parallel_loop3A_283 = tpu.vector_load_idx %arg6[%parallel_loop3A_282] : memref<8192xi32, #tpu.memory_space<vmem>>[vector<16xi32>], vector<16xi32>,
      %parallel_loop3A_284 = arith.constant 16 : i32
      %parallel_loop3A_285 = vector.broadcast %parallel_loop3A_284 : i32 to vector<16xi32>
      %parallel_loop3A_286 = arith.shli %parallel_loop3A_283, %parallel_loop3A_285 : vector<16xi32>
      %parallel_loop3A_287 = vector.bitcast %parallel_loop3A_286 : vector<16xi32> to vector<16xf32>
      %parallel_loop3A_288 = arith.andi %parallel_loop3A_283, %broadcast_in_dim3A_85 : vector<16xi32>
      %parallel_loop3A_289 = vector.bitcast %parallel_loop3A_288 : vector<16xi32> to vector<16xf32>
      %parallel_loop3A_290 = arith.constant 16 : i32
      %parallel_loop3A_291 = arith.muli %parallel_loop3A_121, %parallel_loop3A_290 : i32
      %parallel_loop3A_292 = arith.constant 14 : i32
      %parallel_loop3A_293 = arith.index_cast %parallel_loop3A_292 : i32 to index
      %parallel_loop3A_294 = arith.index_cast %parallel_loop3A_291 : i32 to index
      %parallel_loop3A_295 = tpu.vector_load %arg7[%parallel_loop3A_293, %parallel_loop3A_294] {strides = array<i32>} : memref<16x2048xf32, #tpu.memory_space<vmem>>, vector<16xf32>,
      tpu.vector_store %arg7[%parallel_loop3A_293, %parallel_loop3A_294], %parallel_loop3A_287 {strides = array<i32>} : memref<16x2048xf32, #tpu.memory_space<vmem>>, vector<16xf32>,
      %parallel_loop3A_296 = arith.constant 16 : i32
      %parallel_loop3A_297 = arith.muli %parallel_loop3A_121, %parallel_loop3A_296 : i32
      %parallel_loop3A_298 = arith.constant 15 : i32
      %parallel_loop3A_299 = arith.index_cast %parallel_loop3A_298 : i32 to index
      %parallel_loop3A_300 = arith.index_cast %parallel_loop3A_297 : i32 to index
      %parallel_loop3A_301 = tpu.vector_load %arg7[%parallel_loop3A_299, %parallel_loop3A_300] {strides = array<i32>} : memref<16x2048xf32, #tpu.memory_space<vmem>>, vector<16xf32>,
      tpu.vector_store %arg7[%parallel_loop3A_299, %parallel_loop3A_300], %parallel_loop3A_289 {strides = array<i32>} : memref<16x2048xf32, #tpu.memory_space<vmem>>, vector<16xf32>,
    } {sc.loop_unroll_factor = 4 : i64, sc.parallel_access}
    %dma_wait3A_105 = arith.constant 0 : i32
    %dma_wait3A_106 = arith.constant 0 : i32
    %dma_wait3A_107 = tpu.memref_slice %arg7[%dma_wait3A_105, %dma_wait3A_106] : memref<16x2048xf32, #tpu.memory_space<vmem>> -> memref<16x1024xf32, #tpu.memory_space<vmem>>
    %dma_wait3A_108 = tpu.memref_slice %arg4[%select_n3A, %mul3A_89, %mul3A_91] : memref<4x64x4096xf32, #tpu.memory_space<hbm>> -> memref<1x16x1024xf32, #tpu.memory_space<hbm>>
    %dma_wait3A_109 = tpu.memref_squeeze %dma_wait3A_108 : memref<1x16x1024xf32, #tpu.memory_space<hbm>> -> memref<16x1024xf32, #tpu.memory_space<hbm>>
    %dma_wait3A_110 = tpu.memref_slice %arg4[%select_n3A, %mul3A_89, %mul3A_91] : memref<4x64x4096xf32, #tpu.memory_space<hbm>> -> memref<1x16x1024xf32, #tpu.memory_space<hbm>>
    %dma_wait3A_111 = tpu.memref_squeeze %dma_wait3A_110 : memref<1x16x1024xf32, #tpu.memory_space<hbm>> -> memref<16x1024xf32, #tpu.memory_space<hbm>>
    %dma_wait3A_112 = arith.constant 0 : i32
    %dma_wait3A_113 = arith.constant 0 : i32
    %dma_wait3A_114 = tpu.memref_slice %arg7[%dma_wait3A_112, %dma_wait3A_113] : memref<16x2048xf32, #tpu.memory_space<vmem>> -> memref<16x1024xf32, #tpu.memory_space<vmem>>
    tpu.wait_dma2 semaphore(%arg9 : memref<!tpu.dma_semaphore, #tpu.memory_space<semaphore_mem>>) src(%dma_wait3A_114 : memref<16x1024xf32, #tpu.memory_space<vmem>>) dst(%dma_wait3A_111 : memref<16x1024xf32, #tpu.memory_space<hbm>>)
    %mul3A_115 = arith.constant 16 : i32
    %mul3A_116 = arith.muli %select_n3A_54, %mul3A_115 : i32
    %mul3A_117 = arith.constant 2048 : i32
    %mul3A_118 = arith.muli %select_n3A_70, %mul3A_117 : i32
    %add3A_119 = arith.constant 1024 : i32
    %add3A_120 = arith.addi %mul3A_118, %add3A_119 : i32
    "tpu.region"() ({
      %run_scoped3A = tpu.sem_alloc : memref<!tpu.dma_semaphore, #tpu.memory_space<semaphore_mem>>
      %dma_start3A_121 = arith.constant 0 : i32
      %dma_start3A_122 = arith.constant 1024 : i32
      %dma_start3A_123 = tpu.memref_slice %arg7[%dma_start3A_121, %dma_start3A_122] : memref<16x2048xf32, #tpu.memory_space<vmem>> -> memref<16x1024xf32, #tpu.memory_space<vmem>>
      %dma_start3A_124 = tpu.memref_slice %arg4[%select_n3A, %mul3A_116, %add3A_120] : memref<4x64x4096xf32, #tpu.memory_space<hbm>> -> memref<1x16x1024xf32, #tpu.memory_space<hbm>>
      %dma_start3A_125 = tpu.memref_squeeze %dma_start3A_124 : memref<1x16x1024xf32, #tpu.memory_space<hbm>> -> memref<16x1024xf32, #tpu.memory_space<hbm>>
      %dma_start3A_126 = tpu.memref_slice %arg4[%select_n3A, %mul3A_116, %add3A_120] : memref<4x64x4096xf32, #tpu.memory_space<hbm>> -> memref<1x16x1024xf32, #tpu.memory_space<hbm>>
      %dma_start3A_127 = tpu.memref_squeeze %dma_start3A_126 : memref<1x16x1024xf32, #tpu.memory_space<hbm>> -> memref<16x1024xf32, #tpu.memory_space<hbm>>
      %dma_start3A_128 = arith.constant 0 : i32
      %dma_start3A_129 = arith.constant 1024 : i32
      %dma_start3A_130 = tpu.memref_slice %arg7[%dma_start3A_128, %dma_start3A_129] : memref<16x2048xf32, #tpu.memory_space<vmem>> -> memref<16x1024xf32, #tpu.memory_space<vmem>>
      tpu.enqueue_dma source(%dma_start3A_130 : memref<16x1024xf32, #tpu.memory_space<vmem>>) target(%dma_start3A_127 : memref<16x1024xf32, #tpu.memory_space<hbm>>) target_semaphore(%run_scoped3A : memref<!tpu.dma_semaphore, #tpu.memory_space<semaphore_mem>>)
      %dma_wait3A_131 = arith.constant 0 : i32
      %dma_wait3A_132 = arith.constant 1024 : i32
      %dma_wait3A_133 = tpu.memref_slice %arg7[%dma_wait3A_131, %dma_wait3A_132] : memref<16x2048xf32, #tpu.memory_space<vmem>> -> memref<16x1024xf32, #tpu.memory_space<vmem>>
      %dma_wait3A_134 = tpu.memref_slice %arg4[%select_n3A, %mul3A_116, %add3A_120] : memref<4x64x4096xf32, #tpu.memory_space<hbm>> -> memref<1x16x1024xf32, #tpu.memory_space<hbm>>
      %dma_wait3A_135 = tpu.memref_squeeze %dma_wait3A_134 : memref<1x16x1024xf32, #tpu.memory_space<hbm>> -> memref<16x1024xf32, #tpu.memory_space<hbm>>
      %dma_wait3A_136 = tpu.memref_slice %arg4[%select_n3A, %mul3A_116, %add3A_120] : memref<4x64x4096xf32, #tpu.memory_space<hbm>> -> memref<1x16x1024xf32, #tpu.memory_space<hbm>>
      %dma_wait3A_137 = tpu.memref_squeeze %dma_wait3A_136 : memref<1x16x1024xf32, #tpu.memory_space<hbm>> -> memref<16x1024xf32, #tpu.memory_space<hbm>>
      %dma_wait3A_138 = arith.constant 0 : i32
      %dma_wait3A_139 = arith.constant 1024 : i32
      %dma_wait3A_140 = tpu.memref_slice %arg7[%dma_wait3A_138, %dma_wait3A_139] : memref<16x2048xf32, #tpu.memory_space<vmem>> -> memref<16x1024xf32, #tpu.memory_space<vmem>>
      tpu.wait_dma2 semaphore(%run_scoped3A : memref<!tpu.dma_semaphore, #tpu.memory_space<semaphore_mem>>) src(%dma_wait3A_140 : memref<16x1024xf32, #tpu.memory_space<vmem>>) dst(%dma_wait3A_137 : memref<16x1024xf32, #tpu.memory_space<hbm>>)
      tpu.yield
    }) : () -> ()
    return
  }
}

</mosaic_0001>

<sc_bundles>
// kernel: _emb_lookup.3.cloned.1.call-start
scs
__scs_entry_jumppad:
0x0: {  	(pc) =	sbr.rel $0x88, $3  }
0x1: {  	(tag) =	ssettag $0x0;
	lr =	simm.s32 $0x1  }
0x2: {  	[smem:$0x3F9F] =	sst lr;
	_ =	strace $0xD0000000  }
0x3: {  	_ = 	snop  }
0x4: {  	_ = 	snop  }
0x5: {  	_ = 	snop  }
0x6: {  	_ = 	snop  }
0x7: {  	_ = 	snop  }
__scs_overlays_trampoline_lowered:
0x8: {  	[smem:$0x3FAE] =	sst s0  }
0x9: {  	[smem:$0x3FAF] =	sst s1  }
0xa: {  	[smem:$0x3FB0] =	sst s2  }
0xb: {  	[smem:$0x3FB1] =	sst s3  }
0xc: {  	[smem:$0x3FB2] =	sst s4  }
0xd: {  	[smem:$0x3FB3] =	sst s5  }
0xe: {  	[smem:$0x3FB4] =	sst s6  }
0xf: {  	[smem:$0x3FB5] =	sst s7  }
0x10: {  	[smem:$0x3FB6] =	sst s8  }
0x11: {  	[smem:$0x3FB7] =	sst s9;
	s0 =	simm.s32 @!p0 $0x0  }
0x12: {  	s1 =	sld [smem:$0x3F9D];
	s0 =	simm.s32 @p0 $0x1  }
0x13: {  	[smem:$0x3FB8] =	sst s0;
	s0 =	simm.s32 @!p1 $0x0  }
0x14: {  	s2 =	sld [smem:$0x3F9C];
	s0 =	simm.s32 @p1 $0x1  }
0x15: {  	[smem:$0x3FB9] =	sst s0;
	s0 =	simm.s32 @!p2 $0x0  }
0x16: {  	s3 =	sld [smem:$0x3FDB];
	s0 =	simm.s32 @p2 $0x1  }
0x17: {  	s4 =	simm.s32 $0x1BF5;
	[smem:$0x3FBB] =	sst s0  }
0x18: {  	s0 =	sld [smem:$0x3F9E];
	_ =	swait.ge [sflag:s4], $0x0  }
0x19: {  	s7 =	sld [smem:$0x3F9F]  }
0x1a: {  	s8 =	sadd.s32 $0xFFFFE003, lr  }
0x1b: {  	s9 =	sadd.s32 $0xFFFFFEF7, lr;
	s5 =	simm.s32 $0xFFFFFFFF;
	p2 =	slt.u32 s8, $0xFFFFF086  }
0x1c: {  	p1 =	slt.u32 s9, $0xF7A;
	s5 =	simm.s32 @!p2 $0x0  }
0x1d: {  	s5 =	simm.s32 @p1 $0x1;
	p0 =	seq.s32 s7, s2  }
0x1e: {  	s7 =	smul.u32 @!p0 $0xF7A, s2;
	p2 =	seq.s32 @!p0 s5, $0x0  }
0x1f: {  	s9 =	smul.u32 $0xF7A, s1;
	s8 =	simm.s32 @!p0 $0x1BF5;
	p2 =	por !p2, p0  }
0x20: {  	[sflag:s8] =	ssyncset.s32 @!p0 $0xFFFFF086;
	s6 =	sadd.s32 @!p0 s3, s7;
	s7 =	simm.s32 @!p0 $0x108  }
0x21: {  	s3 =	sadd.s32 s3, s9;
	s6 =	sadd.s32 @!p0 $0x88, s6;
	s7 =	simm.s32 @p2 $0x1082  }
0x22: {  	[simem:s7], [sflag:s8] =	dma.local @!p0 [hbm:s6], $0xF7A  }
0x23: {  	s9 =	sor.u32 $0xD0000000, s2;
	s6 =	simm.s32 $0x108;
	_ =	swait.ge @!p0 [sflag:s8], $0x0  }
0x24: {  	s3 =	sadd.s32 $0x88, s3;
	s6 =	simm.s32 @!p1 $0x1082;
	[sflag:s4] =	ssyncset.s32 $0xFFFFF086  }
0x25: {  	[simem:s6], [sflag:s4] =	dma.local [hbm:s3], $0xF7A  }
0x26: {  	[smem:$0x3F9F] =	sst s1;
	(tag) =	ssettag s2;
	_ =	strace s9  }
0x27: {  	s1 =	sld [smem:$0x3FAF]  }
0x28: {  	s2 =	sld [smem:$0x3FB0]  }
0x29: {  	s4 =	sld [smem:$0x3FB2]  }
0x2a: {  	p0 =	seq.s32 s5, $0x0;
	s5 =	sld [smem:$0x3FB3]  }
0x2b: {  	s6 =	sld [smem:$0x3FB4]  }
0x2c: {  	s7 =	sld [smem:$0x3FB5]  }
0x2d: {  	s3 =	simm.s32 $0x108;
	s8 =	sld [smem:$0x3FB6]  }
0x2e: {  	s3 =	simm.s32 @!p0 $0x1082;
	s9 =	sld [smem:$0x3FB7]  }
0x2f: {  	lr =	sadd.s32 s0, s3;
	s0 =	sld [smem:$0x3FAE]  }
0x30: {  	s3 =	sld [smem:$0x3FB1]  }
0x31: {  	[smem:$0x3FBA] =	sst s10  }
0x32: {  	s10 =	sld [smem:$0x3FB8];
	_ =	sdelay $0x3  }
0x33: {  	p0 =	seq.s32 s10, $0x1;
	s10 =	sld [smem:$0x3FBA];
	_ =	sdelay $0x3  }
0x34: {  	[smem:$0x3FBA] =	sst s10  }
0x35: {  	s10 =	sld [smem:$0x3FB9];
	_ =	sdelay $0x3  }
0x36: {  	p1 =	seq.s32 s10, $0x1;
	s10 =	sld [smem:$0x3FBA];
	_ =	sdelay $0x3  }
0x37: {  	[smem:$0x3FBA] =	sst s10  }
0x38: {  	s10 =	sld [smem:$0x3FBB]  }
0x39: {  	_ = 	snop;
	(pc) =	sbr.ind lr, $3  }
0x3a: {  	_ = 	snop  }
0x3b: {  	_ = 	snop  }
0x3c: {  	p2 =	seq.s32 s10, $0x1;
	s10 =	sld [smem:$0x3FBA]  }
0x3d: {  	_ =	shalt  }
0x3e: {  	_ =	shalt  }
0x3f: {  	_ =	shalt  }
0x40: {  	_ =	shalt  }
0x41: {  	_ =	shalt  }
0x42: {  	_ =	shalt  }
0x43: {  	_ =	shalt  }
0x44: {  	_ =	shalt  }
0x45: {  	_ =	shalt  }
0x46: {  	_ =	shalt  }
0x47: {  	_ =	shalt  }
0x48: {  	_ =	shalt  }
0x49: {  	_ =	shalt  }
0x4a: {  	_ =	shalt  }
0x4b: {  	_ =	shalt  }
0x4c: {  	_ =	shalt  }
0x4d: {  	_ =	shalt  }
0x4e: {  	_ =	shalt  }
0x4f: {  	_ =	shalt  }
0x50: {  	_ =	shalt  }
0x51: {  	_ =	shalt  }
0x52: {  	_ =	shalt  }
0x53: {  	_ =	shalt  }
0x54: {  	_ =	shalt  }
0x55: {  	_ =	shalt  }
0x56: {  	_ =	shalt  }
0x57: {  	_ =	shalt  }
0x58: {  	_ =	shalt  }
0x59: {  	_ =	shalt  }
0x5a: {  	_ =	shalt  }
0x5b: {  	_ =	shalt  }
0x5c: {  	_ =	shalt  }
0x5d: {  	_ =	shalt  }
0x5e: {  	_ =	shalt  }
0x5f: {  	_ =	shalt  }
0x60: {  	_ =	shalt  }
0x61: {  	_ =	shalt  }
0x62: {  	_ =	shalt  }
0x63: {  	_ =	shalt  }
0x64: {  	_ =	shalt  }
0x65: {  	_ =	shalt  }
0x66: {  	_ =	shalt  }
0x67: {  	_ =	shalt  }
0x68: {  	_ =	shalt  }
0x69: {  	_ =	shalt  }
0x6a: {  	_ =	shalt  }
0x6b: {  	_ =	shalt  }
0x6c: {  	_ =	shalt  }
0x6d: {  	_ =	shalt  }
0x6e: {  	_ =	shalt  }
0x6f: {  	_ =	shalt  }
0x70: {  	_ =	shalt  }
0x71: {  	_ =	shalt  }
0x72: {  	_ =	shalt  }
0x73: {  	_ =	shalt  }
0x74: {  	_ =	shalt  }
0x75: {  	_ =	shalt  }
0x76: {  	_ =	shalt  }
0x77: {  	_ =	shalt  }
0x78: {  	_ =	shalt  }
0x79: {  	_ =	shalt  }
0x7a: {  	_ =	shalt  }
0x7b: {  	_ =	shalt  }
0x7c: {  	_ =	shalt  }
0x7d: {  	_ =	shalt  }
0x7e: {  	_ =	shalt  }
0x7f: {  	_ =	shalt  }
0x80: {  	_ =	shalt  }
0x81: {  	_ =	shalt  }
0x82: {  	_ =	shalt  }
0x83: {  	_ =	shalt  }
0x84: {  	_ =	shalt  }
0x85: {  	_ =	shalt  }
0x86: {  	_ =	shalt  }
0x87: {  	_ =	shalt  }
.Lfunc_end0:
.L_simem_size_0:
called_computation_lowered:
.L_overlay_start_0:
0x88: {  	s2 =	sld [smem:$0x3FD9]  }
0x89: {  	s3 =	sld [smem:$0x3FFE];
	_ =	sdelay $0x1  }
0x8a: {  	s1 =	srdreg.scid  }
0x8b: {  	s0 =	sand.u32 $0x1, s1  }
0x8c: {  	s18 =	sshll.u32 s0, $0xA;
	s2 =	sadd.s32 s3, s2  }
0x8d: {  	s2 =	sadd.s32 s2, s18  }
0x8e: {  	[smem:$0x3FC6] =	sst s2  }
0x8f: {  	_ = 	snop  }
0x90: {  	s2 =	sld [smem:$0x3FC9]  }
0x91: {  	s19 =	sld [smem:$0x3FC8]  }
0x92: {  	s4 =	sld [smem:$0x3FD0];
	(tm) =	ssettm $0x1  }
0x93: {  	s5 =	sld [smem:$0x3FFB];
	_ =	sdelay $0x3  }
0x94: {  	_ =	strace s5  }
0x95: {  	s5 =	sld [smem:$0x3FFC];
	_ =	sdelay $0x3  }
0x96: {  	_ =	strace s5  }
0x97: {  	s5 =	sld [smem:$0x3FFD];
	_ =	sdelay $0x3  }
0x98: {  	_ =	strace s5  }
0x99: {  	_ =	strace $0x8FFFFFFF  }
0x9a: {  	s20 =	sld [smem:$0x3FDB];
	_ =	sdelay $0x1  }
0x9b: {  	s6 =	simm.s32 $_scs_section_size  }
0x9c: {  	s7 =	simm.s32 $_size__tile_overlayer_lowered;
	s8 =	simm.s32 $_tile_overlayer_lowered  }
0x9d: {  	s23 =	simm.s32 $0x1BFF;
	s22 =	sshll.u32 s8, $0x1;
	s5 =	sadd.s32 s6, s20  }
0x9e: {  	s9 =	simm.s32 $0x0;
	s21 =	sshll.u32 s7, $0x1;
	s7 =	sadd.s32 s22, s5  }
0x9f: {  	[timem:s9], [sflag:s23] =	dma.local [hbm:s7], s21  }
0xa0: {  	_ =	swait.ge [sflag:s23], s21  }
0xa1: {  	s6 =	ssub.s32 $0x0, s21;
	[sflag:s23] =	ssyncset.done $0x0  }
0xa2: {  	[sflag:s23] =	ssyncadd.s32 s6;
	_ =	sdelay $0x1  }
0xa3: {  	s24 =	simm.s32 $0x1B8B  }
0xa4: {  	_ =	swait.ge [sflag:s24], $0x1  }
0xa5: {  	[sflag:s24] =	ssyncset.done $0x0  }
0xa6: {  	s25 =	simm.s32 $0x1B8E;
	[sflag:s24] =	ssyncadd.s32 $0xFFFFFFFF  }
0xa7: {  	s26 =	simm.s32 $execute0_lowered;
	[smem:$0x3FD2] =	sst s25  }
0xa8: {  	s6 =	sshll.u32 s26, $0x1;
	_ =	strace $0x80000046;
	[dreg:$0x1] =	wrdreg $0xFFFFFFFF  }
0xa9: {  	s28 =	simm.s32 $_size_execute0_lowered;
	s5 =	sadd.s32 s5, s6;
	[dreg:$0x0] =	wrdreg $0x0  }
0xaa: {  	s6 =	sshll.u32 s28, $0x1;
	[dreg:$0x2] =	wrdreg s5  }
0xab: {  	[dreg:$0x3] =	wrdreg s6  }
0xac: {  	[dreg:$0x4] =	wrdreg $0xC0  }
0xad: {  	_ =	task [dreg:s9], $0x5FFFF  }
0xae: {  	[dreg:$0x1] =	wrdreg $0xFFFFFFFF  }
0xaf: {  	[dreg:$0x0] =	wrdreg $0x60  }
0xb0: {  	[dreg:$0x2] =	wrdreg s2  }
0xb1: {  	[dreg:$0x3] =	wrdreg s19  }
0xb2: {  	[dreg:$0x4] =	wrdreg s4  }
0xb3: {  	[dreg:$0x5] =	wrdreg $0x9  }
0xb4: {  	_ =	task.clear_ibuf [dreg:s9], $0x6FFFF;
	_ =	strace $0x90000046  }
0xb5: {  	s29 =	simm.s32 $0x9;
	_ =	strace $0x80000048  }
0xb6: {  	_ =	swait.ge [sflag:s29], $0x1  }
0xb7: {  	[sflag:s29] =	ssyncadd.s32 $0xFFFFFFFF  }
0xb8: {  	_ =	strace $0x90000048  }
0xb9: {  	_ =	sfence  }
0xba: {  	s30 =	sld [smem:$0x0];
	_ =	sdelay $0x2  }
0xbb: {  	s31 =	sshll.u32 s1, $0xD;
	s1 =	sshrl.u32 s1, $0x2  }
0xbc: {  	s3 =	sand.u32 $0x4000, s31;
	s1 =	sadd.s32 s1, s30  }
0xbd: {  	s0 =	sor.u32 s3, s0;
	s1 =	sshll.u32 s1, $0x11  }
0xbe: {  	s0 =	sor.u32 s1, s0  }
0xbf: {  	s0 =	sadd.s32 $0x8F2B, s0  }
0xc0: {  	[sflag:s0] =	ssyncadd.remote.s32 $0x1  }
0xc1: {  	_ =	sfence.sel $0xFFFF  }
0xc2: {  	[dreg:$0x0] =	wrdreg $0xFFFFFFFF;
	(pc) =	sbr.abs _section_cstart, $3  }
0xc3: {  	[dreg:$0x1] =	wrdreg $0xFFFFFFFF  }
0xc4: {  	_ =	task.clear_ibuf [dreg:s9], $0x2FFFF;
	_ =	strace $0x9FFFFFFF  }
0xc5: {  	(tm) =	ssettm $0x7FFFFFFF  }
tec
execute0_lowered:
.L_overlay_start_1:
0x0: {  	(tag) =	ssettag $0x1  }
0x1: {  	s0 =	rddreg [dreg:$0x0]  }
0x2: {  	s1 =	rddreg [dreg:$0x1]  }
0x3: {  	s2 =	srdreg.scid;
	s4 =	rddreg [dreg:$0x2]  }
0x4: {  	s9 =	stileid.u32;
	s7 =	simm.s32 $0x1;
	s5 =	sand.u32 $0x1, s2  }
0x5: {  	s2 =	simm.s32 $0x0;
	s8 =	sshrl.u32 s9, $0x2;
	s3 =	sor.u32 s5, s9  }
0x6: {  	p1 =	seq.s32 s5, $0x1;
	[smem:$0x7FF] =	sst s2;
	p0 =	seq.s32 s3, $0x0  }
0x7: {  	s23 =	ssub.s32 $0x2, s5;
	s24 =	sshll.u32 s5, $0xB;
	p0 =	por !p0, !p1  }
0x8: {  	s10 =	sshll.u32 s5, $0xA;
	s11 =	sshll.u32 s8, $0x4;
	p0 =	por !p0, !p0  }
0x9: {  	s8 =	sshll.u32 s8, $0x12;
	s5 =	sshll.u32 s5, $0xE;
	s7 =	simm.s32 @!p0 $0x0  }
0xa: {  	s6 =	sshrl.u32 s23, $0x1;
	_ =	strace $0x80000047;
	s7 =	ssub.s32 s9, s7  }
0xb: {  	s0 =	sadd.s32 s0, s10;
	s28 =	sadd.s32 s4, s24;
	s7 =	sand.u32 $0x3, s7  }
0xc: {  	s6 =	ssub.s32 s23, s6;
	s0 =	sadd.s32 s11, s0;
	s12 =	sshll.u32 s7, $0x10  }
0xd: {  	[dreg:$0x4] =	wrdreg s0;
	s31 =	smax.u32 s6, $0x1;
	s8 =	sor.u32 s8, s12  }
0xe: {  	[dreg:$0x8] =	wrdreg s31;
	s25 =	sshll.u32 s7, $0xA;
	s5 =	sor.u32 s8, s5  }
0xf: {  	s0 =	sadd.s32 s1, s25;
	s26 =	sshrl.u32 s8, $0x3;
	s5 =	sor.u32 $0x2000, s5  }
0x10: {  	[dreg:$0x5] =	wrdreg s0;
	s29 =	sadd.s32 s26, s28;
	s30 =	sshrl.u32 s5, $0x3  }
0x11: {  	[dreg:$0x6] =	wrdreg s29;
	s0 =	sadd.s32 s4, s30  }
0x12: {  	s18 =	simm.s32 $0x0;
	s11 =	simm.s32 $0x800;
	[dreg:$0x7] =	wrdreg s0  }
.LBB2_1:
0x13: {  	s0 =	rddreg [dreg:$0x4];
	s1 =	simm.s32 $0x80;
	s3 =	simm.s32 $0x200  }
0x14: {  	[tilespmem:s2], [sflag:$0x1] =	stream.strided.gather [hbm4b:s0+s1], $0x800, s3, s1, $0x38;
	[tilespmem:$0xA800] =	vst v63  }
0x15: {  	s4 =	rddreg [dreg:$0x5];
	s5 =	simm.s32 $0x1  }
0x16: {  	[tilespmem:s11], [sflag:$0x1] =	stream.linear.gather [hbm4b:s4+s2], $0x2000, $0x38;
	[tilespmem:$0xA800] =	vst v63  }
0x17: {  	_ =	swait.ge [sflag:s5], $0x800  }
0x18: {  	[sflag:s5] =	ssyncset.done $0x0  }
0x19: {  	[sflag:s5] =	ssyncadd.s32 $0xFFFFF800  }
0x1a: {  	s26 =	sand.u32 $0x40, s2;
	_ =	swait.ge [sflag:s5], $0x2000  }
0x1b: {  	s6 =	sand.u32 $0x380, s2;
	s30 =	sor.u32 $0x30, s26;
	[sflag:s5] =	ssyncset.done $0x0  }
0x1c: {  	s7 =	sor.u32 s30, s6;
	[sflag:s5] =	ssyncadd.s32 $0xFFFFE000  }
0x1d: {  	v1 =	vld [tilespmem:s7+$0x0];
	_ =	sdelay $0x1  }
0x1e: {  	s29 =	sor.u32 $0x10, s26  }
0x1f: {  	s8 =	sor.u32 s29, s6  }
0x20: {  	s28 =	sor.u32 $0x20, s26;
	v4 =	vld [tilespmem:s8+$0x0]  }
0x21: {  	s0 =	sor.u32 s28, s6  }
0x22: {  	v3 =	vld [tilespmem:s0+$0x0];
	_ =	sdelay $0x1  }
0x23: {  	v0 =	vld.idx.msk [tilespmem:v1+s11+$0x0], $0xffff;
	_ =	sdelay $0x1  }
0x24: {  	v2 =	vld [tilespmem:s2+$0x0]  }
0x25: {  	s0 =	sand.u32 $0x1C00, s2;
	v5 =	vadd.s32 $0x400, v1  }
0x26: {  	s9 =	sadd.s32 $0x2800, s0;
	v6 =	vld.idx.msk [tilespmem:v4+s11+$0x0], $0xffff  }
0x27: {  	s4 =	sor.u32 s30, s9;
	v7 =	vshll.u32 v0, $0x10  }
0x28: {  	v8 =	vld.idx.msk [tilespmem:v3+s11+$0x0], $0xffff;
	v0 =	vand.u32 $0xFFFF0000, v0;
	[tilespmem:s4+$0x0] =	vst v7  }
0x29: {  	v7 =	vadd.s32 $0x400, v4;
	[tilespmem:s4+$0x80] =	vst v0  }
0x2a: {  	v0 =	vld.idx.msk [tilespmem:v5+s11+$0x0], $0xffff  }
0x2b: {  	s5 =	sor.u32 s29, s9;
	v9 =	vshll.u32 v6, $0x10;
	v5 =	vadd.s32 $0x400, v3  }
0x2c: {  	v10 =	vld.idx.msk [tilespmem:v2+s11+$0x0], $0xffff;
	v6 =	vand.u32 $0xFFFF0000, v6;
	[tilespmem:s5+$0x0] =	vst v9  }
0x2d: {  	s6 =	sor.u32 s28, s9;
	v9 =	vshll.u32 v8, $0x10;
	[tilespmem:s5+$0x80] =	vst v6;
	v6 =	vadd.s32 $0x800, v1  }
0x2e: {  	v8 =	vand.u32 $0xFFFF0000, v8;
	[tilespmem:s6+$0x0] =	vst v9;
	v7 =	vld.idx.msk [tilespmem:v7+s11+$0x0], $0xffff  }
0x2f: {  	v9 =	vadd.s32 $0x400, v2;
	[tilespmem:s6+$0x80] =	vst v8;
	v8 =	vshll.u32 v0, $0x10  }
0x30: {  	v5 =	vld.idx.msk [tilespmem:v5+s11+$0x0], $0xffff;
	v0 =	vand.u32 $0xFFFF0000, v0;
	[tilespmem:s4+$0x100] =	vst v8  }
0x31: {  	s8 =	sor.u32 s26, s9;
	v11 =	vshll.u32 v10, $0x10;
	v8 =	vadd.s32 $0x800, v4;
	[tilespmem:s4+$0x180] =	vst v0  }
0x32: {  	p0 =	por $0x0, $0x0;
	s1 =	simm.s32 $0x1;
	[tilespmem:s8+$0x0] =	vst v11;
	v0 =	vand.u32 $0xFFFF0000, v10;
	v6 =	vld.idx.msk [tilespmem:v6+s11+$0x0], $0xffff  }
0x33: {  	s1 =	simm.s32 @!p0 $0x0;
	v10 =	vadd.s32 $0x800, v3;
	[tilespmem:s8+$0x80] =	vst v0;
	v0 =	vshll.u32 v7, $0x10  }
0x34: {  	s1 =	sshll.u32 s1, $0x6;
	v9 =	vld.idx.msk [tilespmem:v9+s11+$0x0], $0xffff;
	v7 =	vand.u32 $0xFFFF0000, v7;
	[tilespmem:s5+$0x100] =	vst v0  }
0x35: {  	s1 =	sadd.s32 $0x0, s1;
	[tilespmem:s5+$0x180] =	vst v7;
	v0 =	vshll.u32 v5, $0x10;
	v7 =	vadd.s32 $0xC00, v1  }
0x36: {  	s10 =	sadd.s32 $0x30, s1;
	v5 =	vand.u32 $0xFFFF0000, v5;
	v8 =	vld.idx.msk [tilespmem:v8+s11+$0x0], $0xffff;
	[tilespmem:s6+$0x100] =	vst v0  }
0x37: {  	s12 =	sor.u32 $0x200, s10;
	v0 =	vadd.s32 $0x800, v2;
	[tilespmem:s6+$0x180] =	vst v5;
	v5 =	vshll.u32 v6, $0x10  }
0x38: {  	s13 =	sor.u32 $0x280, s10;
	v10 =	vld.idx.msk [tilespmem:v10+s11+$0x0], $0xffff;
	v6 =	vand.u32 $0xFFFF0000, v6;
	[tilespmem:s12+$0x2800] =	vst v5  }
0x39: {  	v5 =	vadd.s32 $0xC00, v4;
	v11 =	vshll.u32 v9, $0x10;
	[tilespmem:s13+$0x2800] =	vst v6  }
0x3a: {  	s14 =	sadd.s32 $0x10, s1;
	v6 =	vand.u32 $0xFFFF0000, v9;
	[tilespmem:s8+$0x100] =	vst v11;
	v7 =	vld.idx.msk [tilespmem:v7+s11+$0x0], $0xffff  }
0x3b: {  	s15 =	sor.u32 $0x200, s14;
	v9 =	vadd.s32 $0xC00, v3;
	[tilespmem:s8+$0x180] =	vst v6;
	v6 =	vshll.u32 v8, $0x10  }
0x3c: {  	s16 =	sadd.s32 $0x20, s1;
	s9 =	sor.u32 $0x280, s14;
	v0 =	vld.idx.msk [tilespmem:v0+s11+$0x0], $0xffff;
	v8 =	vand.u32 $0xFFFF0000, v8;
	[tilespmem:s15+$0x2800] =	vst v6  }
0x3d: {  	s17 =	sor.u32 $0x200, s16;
	v6 =	vshll.u32 v10, $0x10;
	[tilespmem:s9+$0x2800] =	vst v8;
	v8 =	vadd.s32 $0x1000, v1  }
0x3e: {  	s19 =	sor.u32 $0x280, s16;
	v10 =	vand.u32 $0xFFFF0000, v10;
	[tilespmem:s17+$0x2800] =	vst v6;
	v5 =	vld.idx.msk [tilespmem:v5+s11+$0x0], $0xffff  }
0x3f: {  	s20 =	sor.u32 $0x300, s10;
	v6 =	vadd.s32 $0xC00, v2;
	[tilespmem:s19+$0x2800] =	vst v10;
	v10 =	vshll.u32 v7, $0x10  }
0x40: {  	s4 =	sor.u32 $0x380, s10;
	v9 =	vld.idx.msk [tilespmem:v9+s11+$0x0], $0xffff;
	v7 =	vand.u32 $0xFFFF0000, v7;
	[tilespmem:s20+$0x2800] =	vst v10  }
0x41: {  	s21 =	sor.u32 $0x200, s1;
	v10 =	vadd.s32 $0x1000, v4;
	v11 =	vshll.u32 v0, $0x10;
	[tilespmem:s4+$0x2800] =	vst v7  }
0x42: {  	s22 =	sor.u32 $0x280, s1;
	v0 =	vand.u32 $0xFFFF0000, v0;
	[tilespmem:s21+$0x2800] =	vst v11;
	v7 =	vld.idx.msk [tilespmem:v8+s11+$0x0], $0xffff  }
0x43: {  	s23 =	sor.u32 $0x300, s14;
	v8 =	vadd.s32 $0x1000, v3;
	[tilespmem:s22+$0x2800] =	vst v0;
	v0 =	vshll.u32 v5, $0x10  }
0x44: {  	s24 =	sor.u32 $0x380, s14;
	v6 =	vld.idx.msk [tilespmem:v6+s11+$0x0], $0xffff;
	v5 =	vand.u32 $0xFFFF0000, v5;
	[tilespmem:s23+$0x2800] =	vst v0  }
0x45: {  	s25 =	sor.u32 $0x300, s16;
	v0 =	vshll.u32 v9, $0x10;
	[tilespmem:s24+$0x2800] =	vst v5;
	v5 =	vadd.s32 $0x1400, v1  }
0x46: {  	s31 =	sor.u32 $0x380, s16;
	s3 =	sadd.s32 $0x6800, s0;
	v9 =	vand.u32 $0xFFFF0000, v9;
	[tilespmem:s25+$0x2800] =	vst v0;
	v10 =	vld.idx.msk [tilespmem:v10+s11+$0x0], $0xffff  }
0x47: {  	s7 =	sadd.s32 $0x6880, s0;
	s8 =	sor.u32 s30, s3;
	v0 =	vadd.s32 $0x1000, v2;
	[tilespmem:s31+$0x2800] =	vst v9;
	v9 =	vshll.u32 v7, $0x10  }
0x48: {  	s9 =	sor.u32 s30, s7;
	v8 =	vld.idx.msk [tilespmem:v8+s11+$0x0], $0xffff;
	v7 =	vand.u32 $0xFFFF0000, v7;
	[tilespmem:s8+$0x0] =	vst v9  }
0x49: {  	s1 =	sor.u32 $0x300, s1;
	s10 =	sor.u32 s2, s2;
	v9 =	vadd.s32 $0x1400, v4;
	v11 =	vshll.u32 v6, $0x10;
	[tilespmem:s9+$0x0] =	vst v7  }
0x4a: {  	s12 =	sor.u32 $0x380, s10;
	v6 =	vand.u32 $0xFFFF0000, v6;
	[tilespmem:s1+$0x2800] =	vst v11;
	v5 =	vld.idx.msk [tilespmem:v5+s11+$0x0], $0xffff  }
0x4b: {  	s13 =	sor.u32 s29, s3;
	v7 =	vadd.s32 $0x1400, v3;
	[tilespmem:s12+$0x2800] =	vst v6;
	v6 =	vshll.u32 v10, $0x10  }
0x4c: {  	s14 =	sor.u32 s29, s7;
	v0 =	vld.idx.msk [tilespmem:v0+s11+$0x0], $0xffff;
	v10 =	vand.u32 $0xFFFF0000, v10;
	[tilespmem:s13+$0x0] =	vst v6  }
0x4d: {  	s15 =	sor.u32 s28, s3;
	v6 =	vshll.u32 v8, $0x10;
	[tilespmem:s14+$0x0] =	vst v10;
	v10 =	vadd.s32 $0x1800, v1  }
0x4e: {  	s16 =	sor.u32 s28, s7;
	s1 =	sadd.s32 $0x6900, s0;
	v8 =	vand.u32 $0xFFFF0000, v8;
	[tilespmem:s15+$0x0] =	vst v6;
	v9 =	vld.idx.msk [tilespmem:v9+s11+$0x0], $0xffff  }
0x4f: {  	s17 =	sadd.s32 $0x6980, s0;
	s23 =	simm.s32 $0x40;
	s24 =	sor.u32 s30, s1;
	v6 =	vadd.s32 $0x1400, v2;
	[tilespmem:s16+$0x0] =	vst v8;
	v8 =	vshll.u32 v5, $0x10  }
0x50: {  	s19 =	sand.u32 $0x40, s23;
	s25 =	sor.u32 s30, s17;
	v7 =	vld.idx.msk [tilespmem:v7+s11+$0x0], $0xffff;
	v5 =	vand.u32 $0xFFFF0000, v5;
	[tilespmem:s24+$0x0] =	vst v8  }
0x51: {  	s5 =	sor.u32 s26, s3;
	s31 =	sand.u32 $0x380, s23;
	s22 =	sor.u32 $0x30, s19;
	v8 =	vadd.s32 $0x1800, v4;
	v11 =	vshll.u32 v0, $0x10;
	[tilespmem:s25+$0x0] =	vst v5  }
0x52: {  	s4 =	sor.u32 s26, s7;
	s3 =	sor.u32 s22, s31;
	v0 =	vand.u32 $0xFFFF0000, v0;
	[tilespmem:s5+$0x0] =	vst v11;
	v5 =	vld.idx.msk [tilespmem:v10+s11+$0x0], $0xffff  }
0x53: {  	s21 =	sor.u32 $0x10, s19;
	s7 =	sor.u32 s29, s1;
	v10 =	vadd.s32 $0x1800, v3;
	[tilespmem:s4+$0x0] =	vst v0;
	v0 =	vld [tilespmem:s3+$0x0];
	v11 =	vshll.u32 v9, $0x10  }
0x54: {  	s10 =	sor.u32 s29, s17;
	s8 =	sor.u32 s21, s31;
	v12 =	vld.idx.msk [tilespmem:v6+s11+$0x0], $0xffff;
	v9 =	vand.u32 $0xFFFF0000, v9;
	[tilespmem:s7+$0x0] =	vst v11  }
0x55: {  	s12 =	sor.u32 s28, s1;
	v6 =	vld [tilespmem:s8+$0x0];
	v11 =	vshll.u32 v7, $0x10;
	[tilespmem:s10+$0x0] =	vst v9;
	v9 =	vadd.s32 $0x1C00, v1  }
0x56: {  	s14 =	sor.u32 s28, s17;
	s5 =	sadd.s32 $0x6A00, s0;
	v1 =	vand.u32 $0xFFFF0000, v7;
	[tilespmem:s12+$0x0] =	vst v11;
	v8 =	vld.idx.msk [tilespmem:v8+s11+$0x0], $0xffff  }
0x57: {  	s20 =	sor.u32 $0x20, s19;
	s4 =	sadd.s32 $0x6A80, s0;
	s15 =	sor.u32 s30, s5;
	[tilespmem:s14+$0x0] =	vst v1;
	v1 =	vshll.u32 v5, $0x10  }
0x58: {  	s13 =	sor.u32 s20, s31;
	s16 =	sor.u32 s30, s4;
	v10 =	vld.idx.msk [tilespmem:v10+s11+$0x0], $0xffff;
	v5 =	vand.u32 $0xFFFF0000, v5;
	[tilespmem:s15+$0x0] =	vst v1  }
0x59: {  	s1 =	sor.u32 s26, s1;
	v7 =	vld [tilespmem:s13+$0x0];
	v11 =	vshll.u32 v12, $0x10;
	[tilespmem:s16+$0x0] =	vst v5  }
0x5a: {  	s6 =	sor.u32 s26, s17;
	v12 =	vand.u32 $0xFFFF0000, v12;
	[tilespmem:s1+$0x0] =	vst v11;
	v9 =	vld.idx.msk [tilespmem:v9+s11+$0x0], $0xffff  }
0x5b: {  	s17 =	sor.u32 s29, s5;
	v5 =	vadd.s32 $0x1800, v2;
	[tilespmem:s6+$0x0] =	vst v12;
	v11 =	vld.idx.msk [tilespmem:v0+s11+$0x0], $0xffff;
	v12 =	vshll.u32 v8, $0x10  }
0x5c: {  	s24 =	sor.u32 s29, s4;
	v1 =	vld [tilespmem:s23+$0x0];
	v8 =	vand.u32 $0xFFFF0000, v8;
	[tilespmem:s17+$0x0] =	vst v12  }
0x5d: {  	s25 =	simm.s32 $0x200;
	s31 =	sor.u32 s28, s5;
	v12 =	vshll.u32 v10, $0x10;
	[tilespmem:s24+$0x0] =	vst v8  }
0x5e: {  	s3 =	sor.u32 s28, s4;
	s1 =	sadd.s32 $0x6B00, s0;
	v10 =	vand.u32 $0xFFFF0000, v10;
	v8 =	vld.idx.msk [tilespmem:v6+s11+$0x0], $0xffff;
	s24 =	sand.u32 $0x1C00, s25;
	[tilespmem:s31+$0x0] =	vst v12  }
0x5f: {  	s10 =	sor.u32 s30, s1;
	s7 =	sadd.s32 $0x2800, s24;
	[tilespmem:s3+$0x0] =	vst v10;
	v10 =	vshll.u32 v9, $0x10  }
0x60: {  	v5 =	vld.idx.msk [tilespmem:v5+s11+$0x0], $0xffff;
	v12 =	vshll.u32 v11, $0x10;
	s12 =	sor.u32 s22, s7;
	[tilespmem:s10+$0x0] =	vst v10  }
0x61: {  	s0 =	sadd.s32 $0x6B80, s0;
	v13 =	vld.idx.msk [tilespmem:v7+s11+$0x0], $0xffff;
	v11 =	vand.u32 $0xFFFF0000, v11;
	v10 =	vadd.s32 $0x400, v0;
	[tilespmem:s12+$0x0] =	vst v12  }
0x62: {  	s13 =	sor.u32 s30, s0;
	v9 =	vand.u32 $0xFFFF0000, v9;
	[tilespmem:s12+$0x80] =	vst v11  }
0x63: {  	s14 =	sor.u32 s21, s7;
	v12 =	vadd.s32 $0x400, v6;
	[tilespmem:s13+$0x0] =	vst v9;
	v14 =	vshll.u32 v8, $0x10  }
0x64: {  	v11 =	vadd.s32 $0x400, v7;
	v9 =	vld.idx.msk [tilespmem:v1+s11+$0x0], $0xffff;
	v8 =	vand.u32 $0xFFFF0000, v8;
	[tilespmem:s14+$0x0] =	vst v14  }
0x65: {  	s5 =	sor.u32 s26, s5;
	v15 =	vshll.u32 v5, $0x10;
	[tilespmem:s14+$0x80] =	vst v8  }
0x66: {  	s15 =	sor.u32 s20, s7;
	v14 =	vshll.u32 v13, $0x10;
	[tilespmem:s5+$0x0] =	vst v15;
	v10 =	vld.idx.msk [tilespmem:v10+s11+$0x0], $0xffff  }
0x67: {  	v8 =	vand.u32 $0xFFFF0000, v13;
	v15 =	vadd.s32 $0x400, v1;
	[tilespmem:s15+$0x0] =	vst v14  }
0x68: {  	s4 =	sor.u32 s26, s4;
	v5 =	vand.u32 $0xFFFF0000, v5;
	[tilespmem:s15+$0x80] =	vst v8;
	v12 =	vld.idx.msk [tilespmem:v12+s11+$0x0], $0xffff  }
0x69: {  	s8 =	sor.u32 s19, s7;
	[tilespmem:s4+$0x0] =	vst v5;
	v13 =	vshll.u32 v9, $0x10;
	v8 =	vand.u32 $0xFFFF0000, v9;
	v9 =	vld.idx.msk [tilespmem:v11+s11+$0x0], $0xffff;
	v11 =	vadd.s32 $0x800, v0  }
0x6a: {  	[tilespmem:s8+$0x0] =	vst v13  }
0x6b: {  	[tilespmem:s8+$0x80] =	vst v8;
	v13 =	vadd.s32 $0x800, v6;
	v8 =	vshll.u32 v10, $0x10  }
0x6c: {  	v14 =	vld.idx.msk [tilespmem:v15+s11+$0x0], $0xffff;
	v10 =	vand.u32 $0xFFFF0000, v10;
	[tilespmem:s12+$0x100] =	vst v8  }
0x6d: {  	v8 =	vshll.u32 v12, $0x10;
	[tilespmem:s12+$0x180] =	vst v10;
	v10 =	vadd.s32 $0x800, v7  }
0x6e: {  	p0 =	por !p0, !p0;
	s6 =	simm.s32 $0x1;
	v12 =	vand.u32 $0xFFFF0000, v12;
	[tilespmem:s14+$0x100] =	vst v8;
	v8 =	vld.idx.msk [tilespmem:v11+s11+$0x0], $0xffff  }
0x6f: {  	s6 =	simm.s32 @!p0 $0x0;
	[tilespmem:s14+$0x180] =	vst v12;
	v11 =	vshll.u32 v9, $0x10;
	v12 =	vadd.s32 $0x800, v1  }
0x70: {  	s6 =	sshll.u32 s6, $0x6;
	v9 =	vand.u32 $0xFFFF0000, v9;
	[tilespmem:s15+$0x100] =	vst v11;
	v11 =	vld.idx.msk [tilespmem:v13+s11+$0x0], $0xffff  }
0x71: {  	v4 =	vadd.s32 $0x1C00, v4;
	s5 =	sadd.s32 $0x200, s6;
	[tilespmem:s15+$0x180] =	vst v9;
	v13 =	vshll.u32 v14, $0x10  }
0x72: {  	s6 =	sadd.s32 $0x30, s5;
	v9 =	vand.u32 $0xFFFF0000, v14;
	[tilespmem:s8+$0x100] =	vst v13;
	v13 =	vadd.s32 $0xC00, v0;
	v10 =	vld.idx.msk [tilespmem:v10+s11+$0x0], $0xffff  }
0x73: {  	s16 =	sor.u32 $0x200, s6;
	[tilespmem:s8+$0x180] =	vst v9;
	v9 =	vshll.u32 v8, $0x10  }
0x74: {  	v5 =	vadd.s32 $0xC00, v6;
	s4 =	sadd.s32 $0x10, s5;
	s17 =	sor.u32 $0x280, s6;
	v12 =	vld.idx.msk [tilespmem:v12+s11+$0x0], $0xffff;
	v8 =	vand.u32 $0xFFFF0000, v8;
	[tilespmem:s16+$0x2800] =	vst v9  }
0x75: {  	s31 =	sor.u32 $0x200, s4;
	v9 =	vshll.u32 v11, $0x10;
	[tilespmem:s17+$0x2800] =	vst v8  }
0x76: {  	v4 =	vld.idx.msk [tilespmem:v4+s11+$0x0], $0xffff;
	s3 =	sadd.s32 $0x20, s5;
	s7 =	sor.u32 $0x280, s4;
	[tilespmem:s31+$0x2800] =	vst v9;
	v9 =	vand.u32 $0xFFFF0000, v11  }
0x77: {  	s10 =	sor.u32 $0x200, s3;
	v8 =	vadd.s32 $0xC00, v7;
	[tilespmem:s7+$0x2800] =	vst v9;
	v9 =	vld.idx.msk [tilespmem:v13+s11+$0x0], $0xffff;
	v11 =	vshll.u32 v10, $0x10  }
0x78: {  	s12 =	sor.u32 $0x280, s3;
	v10 =	vand.u32 $0xFFFF0000, v10;
	[tilespmem:s10+$0x2800] =	vst v11  }
0x79: {  	s13 =	sor.u32 $0x200, s5;
	v5 =	vld.idx.msk [tilespmem:v5+s11+$0x0], $0xffff;
	v11 =	vadd.s32 $0xC00, v1;
	[tilespmem:s12+$0x2800] =	vst v10;
	v10 =	vshll.u32 v12, $0x10  }
0x7a: {  	s14 =	sor.u32 $0x280, s5;
	[tilespmem:s13+$0x2800] =	vst v10;
	v10 =	vand.u32 $0xFFFF0000, v12  }
0x7b: {  	s15 =	sor.u32 s29, s1;
	v12 =	vadd.s32 $0x1000, v0;
	[tilespmem:s14+$0x2800] =	vst v10;
	v10 =	vshll.u32 v4, $0x10  }
0x7c: {  	v2 =	vadd.s32 $0x1C00, v2;
	s16 =	sor.u32 $0x300, s6;
	v8 =	vld.idx.msk [tilespmem:v8+s11+$0x0], $0xffff;
	v13 =	vshll.u32 v9, $0x10;
	[tilespmem:s15+$0x0] =	vst v10  }
0x7d: {  	s6 =	sor.u32 $0x380, s6;
	v9 =	vand.u32 $0xFFFF0000, v9;
	[tilespmem:s16+$0x2800] =	vst v13;
	v10 =	vadd.s32 $0x1000, v6  }
0x7e: {  	v3 =	vadd.s32 $0x1C00, v3;
	s17 =	sor.u32 $0x300, s4;
	v11 =	vld.idx.msk [tilespmem:v11+s11+$0x0], $0xffff;
	[tilespmem:s6+$0x2800] =	vst v9;
	v9 =	vshll.u32 v5, $0x10  }
0x7f: {  	s4 =	sor.u32 $0x380, s4;
	v5 =	vand.u32 $0xFFFF0000, v5;
	[tilespmem:s17+$0x2800] =	vst v9;
	v9 =	vadd.s32 $0x1000, v7  }
0x80: {  	[tilespmem:s4+$0x2800] =	vst v5;
	v5 =	vld.idx.msk [tilespmem:v12+s11+$0x0], $0xffff  }
0x81: {  	v14 =	vld.idx.msk [tilespmem:v2+s11+$0x0], $0xffff;
	s31 =	sor.u32 $0x300, s3;
	v12 =	vshll.u32 v8, $0x10  }
0x82: {  	s3 =	sor.u32 $0x380, s3;
	v13 =	vadd.s32 $0x1000, v1;
	v8 =	vand.u32 $0xFFFF0000, v8;
	[tilespmem:s31+$0x2800] =	vst v12;
	v10 =	vld.idx.msk [tilespmem:v10+s11+$0x0], $0xffff  }
0x83: {  	s5 =	sor.u32 $0x300, s5;
	s7 =	sor.u32 s25, s23;
	[tilespmem:s3+$0x2800] =	vst v8;
	v8 =	vld.idx.msk [tilespmem:v3+s11+$0x0], $0xffff;
	v12 =	vshll.u32 v11, $0x10  }
0x84: {  	s9 =	sadd.s32 $0x6800, s24;
	s4 =	sor.u32 $0x380, s7;
	v3 =	vand.u32 $0xFFFF0000, v11;
	[tilespmem:s5+$0x2800] =	vst v12;
	v9 =	vld.idx.msk [tilespmem:v9+s11+$0x0], $0xffff  }
0x85: {  	s10 =	sadd.s32 $0x6880, s24;
	s12 =	sor.u32 s22, s9;
	v12 =	vadd.s32 $0x1400, v0;
	[tilespmem:s4+$0x2800] =	vst v3;
	v2 =	vshll.u32 v5, $0x10  }
0x86: {  	s13 =	sor.u32 s22, s10;
	v3 =	vand.u32 $0xFFFF0000, v5;
	[tilespmem:s12+$0x0] =	vst v2  }
0x87: {  	v16 =	vadd.s32 $0x1400, v7;
	v15 =	vadd.s32 $0x1400, v6;
	s14 =	sor.u32 s21, s9;
	v13 =	vld.idx.msk [tilespmem:v13+s11+$0x0], $0xffff;
	v2 =	vshll.u32 v10, $0x10;
	[tilespmem:s13+$0x0] =	vst v3  }
0x88: {  	v4 =	vand.u32 $0xFFFF0000, v4;
	s15 =	sor.u32 s21, s10;
	v5 =	vadd.s32 $0x1800, v6;
	v10 =	vand.u32 $0xFFFF0000, v10;
	[tilespmem:s14+$0x0] =	vst v2  }
0x89: {  	s16 =	sor.u32 s20, s9;
	v3 =	vadd.s32 $0x1C00, v6;
	[tilespmem:s15+$0x0] =	vst v10;
	v6 =	vshll.u32 v9, $0x10;
	v10 =	vshll.u32 v14, $0x10  }
0x8a: {  	s8 =	sor.u32 s29, s0;
	v12 =	vld.idx.msk [tilespmem:v12+s11+$0x0], $0xffff;
	[tilespmem:s16+$0x0] =	vst v6;
	v6 =	vand.u32 $0xFFFF0000, v9;
	v9 =	vand.u32 $0xFFFF0000, v14;
	v14 =	vadd.s32 $0x1400, v1  }
0x8b: {  	s30 =	simm.s32 $0x80;
	s29 =	sor.u32 s26, s1;
	[tilespmem:s8+$0x0] =	vst v4;
	v4 =	vadd.s32 $0x1800, v7;
	s17 =	sor.u32 s20, s10  }
0x8c: {  	s26 =	sor.u32 s26, s0;
	s1 =	sor.u32 s28, s1;
	s31 =	sor.u32 s19, s9;
	v11 =	vshll.u32 v8, $0x10;
	v2 =	vadd.s32 $0x1C00, v7;
	v7 =	vld.idx.msk [tilespmem:v15+s11+$0x0], $0xffff;
	v17 =	vshll.u32 v13, $0x10;
	[tilespmem:s17+$0x0] =	vst v6  }
0x8d: {  	s0 =	sor.u32 s28, s0;
	s28 =	simm.s32 $0x4;
	s4 =	sor.u32 s19, s10;
	v8 =	vand.u32 $0xFFFF0000, v8;
	v15 =	vand.u32 $0xFFFF0000, v13;
	v13 =	vadd.s32 $0x1800, v0;
	[tilespmem:s31+$0x0] =	vst v17;
	v6 =	vld.idx.msk [tilespmem:v16+s11+$0x0], $0xffff  }
.LBB2_2:
0x8e: {  	s13 =	sand.u32 $0x40, s30;
	s5 =	sand.u32 $0x380, s30;
	[tilespmem:s4+$0x0] =	vst v15;
	s4 =	sadd.s32 $0x6900, s24  }
0x8f: {  	s6 =	sadd.s32 $0x6980, s24;
	v15 =	vshll.u32 v12, $0x10;
	s12 =	sor.u32 $0x30, s13;
	v14 =	vld.idx.msk [tilespmem:v14+s11+$0x0], $0xffff;
	s8 =	sor.u32 s22, s4;
	[tilespmem:s1+$0x0] =	vst v11  }
0x90: {  	s15 =	sor.u32 $0x10, s13;
	v11 =	vand.u32 $0xFFFF0000, v12;
	s1 =	sor.u32 s12, s5;
	[tilespmem:s8+$0x0] =	vst v15;
	s8 =	sor.u32 s22, s6  }
0x91: {  	s16 =	sor.u32 $0x20, s13;
	s9 =	sor.u32 s15, s5;
	v12 =	vshll.u32 v7, $0x10;
	v7 =	vand.u32 $0xFFFF0000, v7;
	v16 =	vld [tilespmem:s1+$0x0];
	s1 =	sor.u32 s19, s4;
	[tilespmem:s8+$0x0] =	vst v11  }
0x92: {  	s10 =	sor.u32 s21, s4;
	s5 =	sor.u32 s16, s5;
	s8 =	sor.u32 s19, s6;
	v11 =	vld.idx.msk [tilespmem:v13+s11+$0x0], $0xffff;
	[tilespmem:s0+$0x0] =	vst v8  }
0x93: {  	s4 =	sor.u32 s20, s4;
	s0 =	sor.u32 s21, s6;
	s6 =	sor.u32 s20, s6;
	v8 =	vld [tilespmem:s9+$0x0];
	[tilespmem:s10+$0x0] =	vst v12;
	v12 =	vshll.u32 v6, $0x10;
	v6 =	vand.u32 $0xFFFF0000, v6  }
0x94: {  	v13 =	vadd.s32 $0x1800, v1;
	v20 =	vld [tilespmem:s5+$0x0];
	[tilespmem:s0+$0x0] =	vst v7  }
0x95: {  	v7 =	vshll.u32 v14, $0x10;
	v14 =	vand.u32 $0xFFFF0000, v14;
	v21 =	vld.idx.msk [tilespmem:v5+s11+$0x0], $0xffff;
	[tilespmem:s4+$0x0] =	vst v12  }
0x96: {  	v5 =	vadd.s32 $0x1C00, v0;
	[tilespmem:s6+$0x0] =	vst v6;
	v0 =	vmov v16  }
0x97: {  	s23 =	sadd.s32 $0x40, s23;
	s0 =	sadd.s32 $0x6A00, s24;
	[tilespmem:s1+$0x0] =	vst v7;
	v22 =	vld.idx.msk [tilespmem:v4+s11+$0x0], $0xffff  }
0x98: {  	s5 =	sor.u32 s19, s0;
	s4 =	sor.u32 s22, s0;
	s1 =	sadd.s32 $0x6A80, s24;
	v4 =	vshll.u32 v11, $0x10;
	v17 =	vld [tilespmem:s23+$0x0];
	v23 =	vadd.s32 $0x400, v8;
	v19 =	vadd.s32 $0x800, v8;
	[tilespmem:s8+$0x0] =	vst v14  }
0x99: {  	s28 =	sadd.s32 $0x4, s28;
	v6 =	vand.u32 $0xFFFF0000, v11;
	s10 =	sor.u32 s19, s1;
	v24 =	vadd.s32 $0x400, v20;
	v18 =	vadd.s32 $0x800, v20;
	v25 =	vld.idx.msk [tilespmem:v13+s11+$0x0], $0xffff;
	[tilespmem:s4+$0x0] =	vst v4;
	s4 =	sor.u32 s22, s1  }
0x9a: {  	p1 =	slt.u32 s28, $0x3C;
	s6 =	sor.u32 s21, s0;
	v15 =	vadd.s32 $0xC00, v8;
	v12 =	vadd.s32 $0x1000, v8;
	s8 =	sor.u32 s21, s1;
	v14 =	vadd.s32 $0xC00, v20;
	v11 =	vld.idx.msk [tilespmem:v16+s11+$0x0], $0xffff;
	[tilespmem:s4+$0x0] =	vst v6  }
0x9b: {  	s0 =	sor.u32 s20, s0;
	v7 =	vadd.s32 $0x1400, v8;
	v13 =	vadd.s32 $0x1000, v20;
	s1 =	sor.u32 s20, s1;
	v6 =	vadd.s32 $0x1400, v20;
	v16 =	vld.idx.msk [tilespmem:v5+s11+$0x0], $0xffff;
	[tilespmem:s29+$0x0] =	vst v10  }
0x9c: {  	v4 =	vadd.s32 $0x1800, v20;
	v26 =	vshll.u32 v21, $0x10;
	v5 =	vadd.s32 $0x1800, v8;
	v10 =	vld.idx.msk [tilespmem:v8+s11+$0x0], $0xffff;
	[tilespmem:s26+$0x0] =	vst v9  }
0x9d: {  	s25 =	sadd.s32 $0x200, s25;
	v21 =	vand.u32 $0xFFFF0000, v21;
	v9 =	vld.idx.msk [tilespmem:v20+s11+$0x0], $0xffff;
	[tilespmem:s6+$0x0] =	vst v26;
	v26 =	vshll.u32 v22, $0x10;
	v22 =	vand.u32 $0xFFFF0000, v22  }
0x9e: {  	s7 =	sand.u32 $0x1C00, s25;
	s4 =	sor.u32 s25, s30;
	v8 =	vadd.s32 $0x1C00, v8;
	v20 =	vadd.s32 $0x1C00, v20;
	[tilespmem:s8+$0x0] =	vst v21  }
0x9f: {  	s9 =	sadd.s32 $0x2800, s7;
	s31 =	sor.u32 $0x380, s4;
	v21 =	vshll.u32 v25, $0x10;
	v25 =	vand.u32 $0xFFFF0000, v25;
	v27 =	vld.idx.msk [tilespmem:v3+s11+$0x0], $0xffff;
	[tilespmem:s0+$0x0] =	vst v26;
	v3 =	vmov v8  }
0xa0: {  	s6 =	sor.u32 s12, s9;
	s8 =	sor.u32 s13, s9;
	v8 =	vshll.u32 v11, $0x10;
	v26 =	vadd.s32 $0x400, v0;
	s0 =	sadd.s32 $0x6B00, s24;
	[tilespmem:s1+$0x0] =	vst v22  }
0xa1: {  	s17 =	sor.u32 s15, s9;
	s24 =	sadd.s32 $0x6B80, s24;
	v22 =	vshll.u32 v16, $0x10;
	s1 =	sor.u32 s22, s0;
	[tilespmem:s6+$0x0] =	vst v8;
	v8 =	vld.idx.msk [tilespmem:v2+s11+$0x0], $0xffff;
	v2 =	vmov v20  }
0xa2: {  	s14 =	sor.u32 s16, s9;
	s29 =	sor.u32 s19, s0;
	v16 =	vand.u32 $0xFFFF0000, v16;
	v28 =	vshll.u32 v10, $0x10;
	v10 =	vand.u32 $0xFFFF0000, v10;
	v20 =	vld.idx.msk [tilespmem:v17+s11+$0x0], $0xffff;
	[tilespmem:s1+$0x0] =	vst v22;
	s1 =	sor.u32 s22, s24  }
0xa3: {  	v11 =	vand.u32 $0xFFFF0000, v11;
	s26 =	sor.u32 s19, s24;
	s4 =	sor.u32 s21, s0;
	s9 =	sor.u32 s21, s24;
	v22 =	vshll.u32 v9, $0x10;
	v9 =	vand.u32 $0xFFFF0000, v9;
	[tilespmem:s1+$0x0] =	vst v16  }
0xa4: {  	s19 =	smov.u32 s13;
	s1 =	sor.u32 s20, s0;
	s0 =	sor.u32 s20, s24;
	[tilespmem:s6+$0x80] =	vst v11  }
0xa5: {  	s21 =	smov.u32 s15;
	s22 =	smov.u32 s12;
	s20 =	smov.u32 s16;
	v16 =	vand.u32 $0xFFFF0000, v27;
	[tilespmem:s17+$0x0] =	vst v28;
	v26 =	vld.idx.msk [tilespmem:v26+s11+$0x0], $0xffff;
	v28 =	vshll.u32 v27, $0x10  }
0xa6: {  	s24 =	smov.u32 s7;
	v27 =	vadd.s32 $0x400, v17;
	[tilespmem:s17+$0x80] =	vst v10  }
0xa7: {  	v11 =	vshll.u32 v8, $0x10;
	v8 =	vand.u32 $0xFFFF0000, v8;
	v10 =	vld.idx.msk [tilespmem:v23+s11+$0x0], $0xffff;
	[tilespmem:s14+$0x0] =	vst v22  }
0xa8: {  	v22 =	vshll.u32 v20, $0x10;
	[tilespmem:s14+$0x80] =	vst v9  }
0xa9: {  	v9 =	vand.u32 $0xFFFF0000, v20;
	[tilespmem:s8+$0x0] =	vst v22;
	v20 =	vld.idx.msk [tilespmem:v24+s11+$0x0], $0xffff;
	v22 =	vadd.s32 $0x800, v0  }
0xaa: {  	[tilespmem:s8+$0x80] =	vst v9  }
0xab: {  	v23 =	vshll.u32 v26, $0x10;
	v9 =	vld.idx.msk [tilespmem:v27+s11+$0x0], $0xffff;
	[tilespmem:s5+$0x0] =	vst v21  }
0xac: {  	v21 =	vand.u32 $0xFFFF0000, v26;
	[tilespmem:s6+$0x100] =	vst v23  }
0xad: {  	v23 =	vshll.u32 v10, $0x10;
	v10 =	vand.u32 $0xFFFF0000, v10;
	[tilespmem:s6+$0x180] =	vst v21  }
0xae: {  	[tilespmem:s17+$0x100] =	vst v23;
	v21 =	vld.idx.msk [tilespmem:v22+s11+$0x0], $0xffff  }
0xaf: {  	p0 =	por !p0, !p0;
	s5 =	simm.s32 $0x1;
	v22 =	vadd.s32 $0x800, v17;
	[tilespmem:s17+$0x180] =	vst v10;
	v10 =	vshll.u32 v20, $0x10;
	v20 =	vand.u32 $0xFFFF0000, v20  }
0xb0: {  	s5 =	simm.s32 @!p0 $0x0;
	v19 =	vld.idx.msk [tilespmem:v19+s11+$0x0], $0xffff;
	[tilespmem:s14+$0x100] =	vst v10;
	v10 =	vadd.s32 $0x1C00, v1;
	v1 =	vmov v17  }
0xb1: {  	s5 =	sshll.u32 s5, $0x6;
	v17 =	vshll.u32 v9, $0x10;
	v9 =	vand.u32 $0xFFFF0000, v9;
	[tilespmem:s14+$0x180] =	vst v20  }
0xb2: {  	s5 =	sadd.s32 s5, s25;
	[tilespmem:s8+$0x100] =	vst v17;
	v17 =	vld.idx.msk [tilespmem:v18+s11+$0x0], $0xffff;
	v18 =	vadd.s32 $0xC00, v0  }
0xb3: {  	s6 =	sadd.s32 $0x10, s5;
	s7 =	sadd.s32 $0x20, s5;
	[tilespmem:s8+$0x180] =	vst v9;
	s8 =	sadd.s32 $0x30, s5  }
0xb4: {  	s12 =	sor.u32 $0x200, s6;
	s13 =	sor.u32 $0x280, s6;
	v20 =	vshll.u32 v21, $0x10;
	v9 =	vld.idx.msk [tilespmem:v22+s11+$0x0], $0xffff;
	s14 =	sor.u32 $0x200, s8;
	[tilespmem:s10+$0x0] =	vst v25  }
0xb5: {  	s15 =	sor.u32 $0x280, s7;
	v21 =	vand.u32 $0xFFFF0000, v21;
	s10 =	sor.u32 $0x200, s7;
	[tilespmem:s14+$0x2800] =	vst v20;
	s14 =	sor.u32 $0x280, s8;
	v20 =	vld.idx.msk [tilespmem:v10+s11+$0x0], $0xffff  }
0xb6: {  	s16 =	sor.u32 $0x200, s5;
	s17 =	sor.u32 $0x280, s5;
	s3 =	sor.u32 $0x300, s6;
	v10 =	vshll.u32 v19, $0x10;
	v19 =	vand.u32 $0xFFFF0000, v19;
	[tilespmem:s14+$0x2800] =	vst v21  }
0xb7: {  	s6 =	sor.u32 $0x380, s6;
	[tilespmem:s12+$0x2800] =	vst v10;
	s12 =	sor.u32 $0x300, s7;
	s7 =	sor.u32 $0x380, s7;
	v18 =	vld.idx.msk [tilespmem:v18+s11+$0x0], $0xffff  }
0xb8: {  	s5 =	sor.u32 $0x300, s5;
	v21 =	vadd.s32 $0xC00, v1;
	v10 =	vshll.u32 v17, $0x10;
	v17 =	vand.u32 $0xFFFF0000, v17;
	[tilespmem:s13+$0x2800] =	vst v19  }
0xb9: {  	v15 =	vld.idx.msk [tilespmem:v15+s11+$0x0], $0xffff;
	[tilespmem:s10+$0x2800] =	vst v10  }
0xba: {  	v10 =	vshll.u32 v9, $0x10;
	v19 =	vand.u32 $0xFFFF0000, v9;
	[tilespmem:s15+$0x2800] =	vst v17  }
0xbb: {  	v17 =	vadd.s32 $0x1000, v0;
	v9 =	vand.u32 $0xFFFF0000, v20;
	[tilespmem:s16+$0x2800] =	vst v10;
	v14 =	vld.idx.msk [tilespmem:v14+s11+$0x0], $0xffff;
	v10 =	vshll.u32 v20, $0x10  }
0xbc: {  	[tilespmem:s17+$0x2800] =	vst v19  }
0xbd: {  	s10 =	sor.u32 $0x300, s8;
	v20 =	vshll.u32 v18, $0x10;
	v19 =	vld.idx.msk [tilespmem:v21+s11+$0x0], $0xffff;
	[tilespmem:s4+$0x0] =	vst v28  }
0xbe: {  	v18 =	vand.u32 $0xFFFF0000, v18;
	s4 =	sor.u32 $0x380, s8;
	[tilespmem:s10+$0x2800] =	vst v20  }
0xbf: {  	v20 =	vshll.u32 v15, $0x10;
	v15 =	vand.u32 $0xFFFF0000, v15;
	[tilespmem:s4+$0x2800] =	vst v18  }
0xc0: {  	[tilespmem:s3+$0x2800] =	vst v20;
	v17 =	vld.idx.msk [tilespmem:v17+s11+$0x0], $0xffff  }
0xc1: {  	v18 =	vadd.s32 $0x1000, v1;
	[tilespmem:s6+$0x2800] =	vst v15;
	v15 =	vshll.u32 v14, $0x10;
	v14 =	vand.u32 $0xFFFF0000, v14  }
0xc2: {  	v12 =	vld.idx.msk [tilespmem:v12+s11+$0x0], $0xffff;
	[tilespmem:s12+$0x2800] =	vst v15  }
0xc3: {  	v15 =	vshll.u32 v19, $0x10;
	v19 =	vand.u32 $0xFFFF0000, v19;
	[tilespmem:s7+$0x2800] =	vst v14  }
0xc4: {  	v14 =	vadd.s32 $0x1400, v0;
	[tilespmem:s5+$0x2800] =	vst v15;
	v13 =	vld.idx.msk [tilespmem:v13+s11+$0x0], $0xffff  }
0xc5: {  	s3 =	sadd.s32 $0x6800, s24;
	[tilespmem:s31+$0x2800] =	vst v19  }
0xc6: {  	s6 =	sadd.s32 $0x6880, s24;
	s7 =	sor.u32 s22, s3;
	s5 =	sor.u32 s19, s3;
	v15 =	vld.idx.msk [tilespmem:v18+s11+$0x0], $0xffff;
	v18 =	vshll.u32 v17, $0x10;
	[tilespmem:s9+$0x0] =	vst v16  }
0xc7: {  	s8 =	sor.u32 s21, s3;
	s4 =	sor.u32 s19, s6;
	v16 =	vand.u32 $0xFFFF0000, v17;
	[tilespmem:s7+$0x0] =	vst v18;
	s7 =	sor.u32 s22, s6  }
0xc8: {  	s3 =	sor.u32 s20, s3;
	s9 =	sor.u32 s21, s6;
	v17 =	vshll.u32 v12, $0x10;
	v18 =	vand.u32 $0xFFFF0000, v12;
	s6 =	sor.u32 s20, s6;
	[tilespmem:s7+$0x0] =	vst v16  }
.Ltmp0:
0xc9: {  	[tilespmem:s8+$0x0] =	vst v17;
	v12 =	vld.idx.msk [tilespmem:v14+s11+$0x0], $0xffff;
	(pc) =	sbr.rel @p1 .LBB2_2-.Ltmp0, $4  }
0xca: {  	v14 =	vadd.s32 $0x1400, v1;
	v16 =	vshll.u32 v13, $0x10;
	v13 =	vand.u32 $0xFFFF0000, v13;
	[tilespmem:s9+$0x0] =	vst v18  }
0xcb: {  	v7 =	vld.idx.msk [tilespmem:v7+s11+$0x0], $0xffff;
	[tilespmem:s3+$0x0] =	vst v16  }
0xcc: {  	v16 =	vshll.u32 v15, $0x10;
	v15 =	vand.u32 $0xFFFF0000, v15;
	[tilespmem:s6+$0x0] =	vst v13  }
0xcd: {  	s30 =	sadd.s32 $0x40, s30;
	v13 =	vadd.s32 $0x1800, v0;
	[tilespmem:s5+$0x0] =	vst v16;
	v6 =	vld.idx.msk [tilespmem:v6+s11+$0x0], $0xffff  }
0xce: {  	[tilespmem:s4+$0x0] =	vst v15  }
0xcf: {  	[tilespmem:s1+$0x0] =	vst v11  }
0xd0: {  	[tilespmem:s29+$0x0] =	vst v10  }
0xd1: {  	s3 =	sadd.s32 $0x6900, s24;
	[tilespmem:s0+$0x0] =	vst v8  }
0xd2: {  	s6 =	sadd.s32 $0x6980, s24;
	v15 =	vshll.u32 v12, $0x10;
	s5 =	sor.u32 s22, s3;
	[tilespmem:s26+$0x0] =	vst v9  }
0xd3: {  	v11 =	vand.u32 $0xFFFF0000, v12;
	s7 =	sor.u32 s22, s6;
	v12 =	vld.idx.msk [tilespmem:v14+s11+$0x0], $0xffff;
	[tilespmem:s5+$0x0] =	vst v15  }
0xd4: {  	s8 =	sor.u32 s21, s3;
	[tilespmem:s7+$0x0] =	vst v11;
	v11 =	vshll.u32 v7, $0x10  }
0xd5: {  	s9 =	sor.u32 s21, s6;
	v7 =	vand.u32 $0xFFFF0000, v7;
	v8 =	vld.idx.msk [tilespmem:v13+s11+$0x0], $0xffff;
	[tilespmem:s8+$0x0] =	vst v11  }
0xd6: {  	s10 =	sor.u32 s20, s3;
	v11 =	vshll.u32 v6, $0x10;
	[tilespmem:s9+$0x0] =	vst v7;
	v7 =	vadd.s32 $0x1800, v1  }
0xd7: {  	s12 =	sor.u32 s20, s6;
	v6 =	vand.u32 $0xFFFF0000, v6;
	[tilespmem:s10+$0x0] =	vst v11;
	v5 =	vld.idx.msk [tilespmem:v5+s11+$0x0], $0xffff  }
0xd8: {  	v0 =	vadd.s32 $0x1C00, v0;
	s13 =	sor.u32 s19, s3;
	v11 =	vshll.u32 v12, $0x10;
	[tilespmem:s12+$0x0] =	vst v6  }
0xd9: {  	s15 =	sadd.s32 $0x6A00, s24;
	s14 =	sor.u32 s19, s6;
	v6 =	vand.u32 $0xFFFF0000, v12;
	[tilespmem:s13+$0x0] =	vst v11;
	v4 =	vld.idx.msk [tilespmem:v4+s11+$0x0], $0xffff  }
0xda: {  	s16 =	sadd.s32 $0x6A80, s24;
	s17 =	sor.u32 s22, s15;
	[tilespmem:s14+$0x0] =	vst v6;
	v6 =	vshll.u32 v8, $0x10  }
0xdb: {  	s23 =	sor.u32 s22, s16;
	v8 =	vand.u32 $0xFFFF0000, v8;
	[tilespmem:s17+$0x0] =	vst v6;
	v6 =	vld.idx.msk [tilespmem:v7+s11+$0x0], $0xffff  }
0xdc: {  	s25 =	sor.u32 s21, s15;
	[tilespmem:s23+$0x0] =	vst v8;
	v7 =	vshll.u32 v5, $0x10  }
0xdd: {  	s26 =	sor.u32 s21, s16;
	v5 =	vand.u32 $0xFFFF0000, v5;
	v0 =	vld.idx.msk [tilespmem:v0+s11+$0x0], $0xffff;
	[tilespmem:s25+$0x0] =	vst v7  }
0xde: {  	s5 =	sor.u32 s20, s15;
	v1 =	vadd.s32 $0x1C00, v1;
	v7 =	vshll.u32 v4, $0x10;
	[tilespmem:s26+$0x0] =	vst v5  }
0xdf: {  	s6 =	sor.u32 s20, s16;
	v4 =	vand.u32 $0xFFFF0000, v4;
	[tilespmem:s5+$0x0] =	vst v7;
	v3 =	vld.idx.msk [tilespmem:v3+s11+$0x0], $0xffff  }
0xe0: {  	s1 =	sor.u32 s19, s15;
	[tilespmem:s6+$0x0] =	vst v4;
	v5 =	vshll.u32 v6, $0x10  }
0xe1: {  	s0 =	sor.u32 s19, s16;
	s7 =	sadd.s32 $0x6B00, s24;
	v4 =	vand.u32 $0xFFFF0000, v6;
	v2 =	vld.idx.msk [tilespmem:v2+s11+$0x0], $0xffff;
	[tilespmem:s1+$0x0] =	vst v5  }
0xe2: {  	s8 =	sadd.s32 $0x6B80, s24;
	s9 =	sor.u32 s22, s7;
	v5 =	vshll.u32 v0, $0x10;
	[tilespmem:s0+$0x0] =	vst v4  }
0xe3: {  	s10 =	sor.u32 s22, s8;
	v0 =	vand.u32 $0xFFFF0000, v0;
	[tilespmem:s9+$0x0] =	vst v5;
	v1 =	vld.idx.msk [tilespmem:v1+s11+$0x0], $0xffff  }
0xe4: {  	s12 =	sor.u32 s21, s7;
	[tilespmem:s10+$0x0] =	vst v0;
	v0 =	vshll.u32 v3, $0x10  }
0xe5: {  	s13 =	sor.u32 s21, s8;
	v3 =	vand.u32 $0xFFFF0000, v3;
	[tilespmem:s12+$0x0] =	vst v0  }
0xe6: {  	s14 =	sor.u32 s20, s7;
	v0 =	vshll.u32 v2, $0x10;
	[tilespmem:s13+$0x0] =	vst v3  }
0xe7: {  	s15 =	sor.u32 s20, s8;
	v2 =	vand.u32 $0xFFFF0000, v2;
	[tilespmem:s14+$0x0] =	vst v0  }
0xe8: {  	s3 =	sor.u32 s19, s7;
	s22 =	simm.s32 $0x400;
	[tilespmem:s15+$0x0] =	vst v2;
	v0 =	vshll.u32 v1, $0x10  }
0xe9: {  	s16 =	sor.u32 s19, s8;
	s28 =	sand.u32 $0x40, s22;
	v1 =	vand.u32 $0xFFFF0000, v1;
	[tilespmem:s3+$0x0] =	vst v0  }
0xea: {  	s30 =	sor.u32 $0x30, s28;
	s20 =	simm.s32 $0x2800;
	[tilespmem:s16+$0x0] =	vst v1  }
0xeb: {  	s17 =	simm.s32 $0x0;
	s23 =	sand.u32 $0x780, s22;
	s19 =	rddreg [dreg:$0x6]  }
0xec: {  	[hbm4b:s19+s17] =	stream.linear.scatter [tilespmem:s20], [sflag:$0x2], $0x2000, $0x38;
	[tilespmem:$0xA800] =	vst v63  }
0xed: {  	s21 =	simm.s32 $0x6800;
	s24 =	sor.u32 s30, s23;
	s1 =	sadd.s32 $0x1000, s19  }
0xee: {  	[hbm4b:s1+s17] =	stream.linear.scatter [tilespmem:s21], [sflag:$0x2], $0x2000, $0x38;
	[tilespmem:$0xA800] =	vst v63  }
0xef: {  	v1 =	vld [tilespmem:s24+$0x0];
	_ =	sdelay $0x1  }
0xf0: {  	s29 =	sor.u32 $0x10, s28  }
0xf1: {  	s25 =	sor.u32 s29, s23  }
0xf2: {  	s26 =	sor.u32 $0x20, s28;
	v4 =	vld [tilespmem:s25+$0x0]  }
0xf3: {  	s1 =	sor.u32 s26, s23  }
0xf4: {  	v3 =	vld [tilespmem:s1+$0x0];
	_ =	sdelay $0x1  }
0xf5: {  	v0 =	vld.idx.msk [tilespmem:v1+s11+$0x0], $0xffff;
	_ =	sdelay $0x1  }
0xf6: {  	s4 =	simm.s32 $0x2000;
	v2 =	vld [tilespmem:s22+$0x0]  }
0xf7: {  	s0 =	sand.u32 $0x3C00, s4;
	v5 =	vadd.s32 $0x400, v1  }
0xf8: {  	s1 =	sadd.s32 $0x2800, s0;
	v6 =	vld.idx.msk [tilespmem:v4+s11+$0x0], $0xffff  }
0xf9: {  	s5 =	sor.u32 s30, s1;
	v7 =	vshll.u32 v0, $0x10  }
0xfa: {  	v8 =	vld.idx.msk [tilespmem:v3+s11+$0x0], $0xffff;
	v0 =	vand.u32 $0xFFFF0000, v0;
	[tilespmem:s5+$0x0] =	vst v7  }
0xfb: {  	v7 =	vadd.s32 $0x400, v4;
	[tilespmem:s5+$0x80] =	vst v0  }
0xfc: {  	v0 =	vld.idx.msk [tilespmem:v5+s11+$0x0], $0xffff  }
0xfd: {  	s6 =	sor.u32 s29, s1;
	v9 =	vshll.u32 v6, $0x10;
	v5 =	vadd.s32 $0x400, v3  }
0xfe: {  	v10 =	vld.idx.msk [tilespmem:v2+s11+$0x0], $0xffff;
	v6 =	vand.u32 $0xFFFF0000, v6;
	[tilespmem:s6+$0x0] =	vst v9  }
0xff: {  	s7 =	sor.u32 s26, s1;
	v9 =	vshll.u32 v8, $0x10;
	[tilespmem:s6+$0x80] =	vst v6;
	v6 =	vadd.s32 $0x800, v1  }
0x100: {  	v8 =	vand.u32 $0xFFFF0000, v8;
	[tilespmem:s7+$0x0] =	vst v9;
	v7 =	vld.idx.msk [tilespmem:v7+s11+$0x0], $0xffff  }
0x101: {  	v9 =	vadd.s32 $0x400, v2;
	[tilespmem:s7+$0x80] =	vst v8;
	v8 =	vshll.u32 v0, $0x10  }
0x102: {  	v5 =	vld.idx.msk [tilespmem:v5+s11+$0x0], $0xffff;
	v0 =	vand.u32 $0xFFFF0000, v0;
	[tilespmem:s5+$0x100] =	vst v8  }
0x103: {  	s1 =	sor.u32 s28, s1;
	v11 =	vshll.u32 v10, $0x10;
	v8 =	vadd.s32 $0x800, v4;
	[tilespmem:s5+$0x180] =	vst v0  }
0x104: {  	p0 =	por $0x0, $0x0;
	s3 =	simm.s32 $0x1;
	[tilespmem:s1+$0x0] =	vst v11;
	v0 =	vand.u32 $0xFFFF0000, v10;
	v6 =	vld.idx.msk [tilespmem:v6+s11+$0x0], $0xffff  }
0x105: {  	s3 =	simm.s32 @!p0 $0x0;
	v10 =	vadd.s32 $0x800, v3;
	[tilespmem:s1+$0x80] =	vst v0;
	v0 =	vshll.u32 v7, $0x10  }
0x106: {  	s3 =	sshll.u32 s3, $0x6;
	v9 =	vld.idx.msk [tilespmem:v9+s11+$0x0], $0xffff;
	v7 =	vand.u32 $0xFFFF0000, v7;
	[tilespmem:s6+$0x100] =	vst v0  }
0x107: {  	s3 =	sadd.s32 $0x0, s3;
	[tilespmem:s6+$0x180] =	vst v7;
	v0 =	vshll.u32 v5, $0x10;
	v7 =	vadd.s32 $0xC00, v1  }
0x108: {  	s8 =	sadd.s32 $0x2030, s3;
	v5 =	vand.u32 $0xFFFF0000, v5;
	v8 =	vld.idx.msk [tilespmem:v8+s11+$0x0], $0xffff;
	[tilespmem:s7+$0x100] =	vst v0  }
0x109: {  	s9 =	sor.u32 $0x200, s8;
	v0 =	vadd.s32 $0x800, v2;
	[tilespmem:s7+$0x180] =	vst v5;
	v5 =	vshll.u32 v6, $0x10  }
0x10a: {  	s10 =	sor.u32 $0x280, s8;
	v10 =	vld.idx.msk [tilespmem:v10+s11+$0x0], $0xffff;
	v6 =	vand.u32 $0xFFFF0000, v6;
	[tilespmem:s9+$0x2800] =	vst v5  }
0x10b: {  	v5 =	vadd.s32 $0xC00, v4;
	v11 =	vshll.u32 v9, $0x10;
	[tilespmem:s10+$0x2800] =	vst v6  }
0x10c: {  	s12 =	sadd.s32 $0x2010, s3;
	v6 =	vand.u32 $0xFFFF0000, v9;
	[tilespmem:s1+$0x100] =	vst v11;
	v7 =	vld.idx.msk [tilespmem:v7+s11+$0x0], $0xffff  }
0x10d: {  	s13 =	sor.u32 $0x200, s12;
	v9 =	vadd.s32 $0xC00, v3;
	[tilespmem:s1+$0x180] =	vst v6;
	v6 =	vshll.u32 v8, $0x10  }
0x10e: {  	s6 =	sadd.s32 $0x2020, s3;
	s7 =	sor.u32 $0x280, s12;
	v0 =	vld.idx.msk [tilespmem:v0+s11+$0x0], $0xffff;
	v8 =	vand.u32 $0xFFFF0000, v8;
	[tilespmem:s13+$0x2800] =	vst v6  }
0x10f: {  	s14 =	sor.u32 $0x200, s6;
	v6 =	vshll.u32 v10, $0x10;
	[tilespmem:s7+$0x2800] =	vst v8;
	v8 =	vadd.s32 $0x1000, v1  }
0x110: {  	s15 =	sor.u32 $0x280, s6;
	v10 =	vand.u32 $0xFFFF0000, v10;
	[tilespmem:s14+$0x2800] =	vst v6;
	v5 =	vld.idx.msk [tilespmem:v5+s11+$0x0], $0xffff  }
0x111: {  	s16 =	sor.u32 $0x300, s8;
	v6 =	vadd.s32 $0xC00, v2;
	[tilespmem:s15+$0x2800] =	vst v10;
	v10 =	vshll.u32 v7, $0x10  }
0x112: {  	s17 =	sor.u32 $0x380, s8;
	s3 =	sadd.s32 $0x2000, s3;
	v9 =	vld.idx.msk [tilespmem:v9+s11+$0x0], $0xffff;
	v7 =	vand.u32 $0xFFFF0000, v7;
	[tilespmem:s16+$0x2800] =	vst v10  }
0x113: {  	s19 =	sor.u32 $0x200, s3;
	v10 =	vadd.s32 $0x1000, v4;
	v11 =	vshll.u32 v0, $0x10;
	[tilespmem:s17+$0x2800] =	vst v7  }
0x114: {  	s20 =	sor.u32 $0x280, s3;
	v0 =	vand.u32 $0xFFFF0000, v0;
	[tilespmem:s19+$0x2800] =	vst v11;
	v7 =	vld.idx.msk [tilespmem:v8+s11+$0x0], $0xffff  }
0x115: {  	s21 =	sor.u32 $0x300, s12;
	v8 =	vadd.s32 $0x1000, v3;
	[tilespmem:s20+$0x2800] =	vst v0;
	v0 =	vshll.u32 v5, $0x10  }
0x116: {  	s22 =	sor.u32 $0x380, s12;
	v6 =	vld.idx.msk [tilespmem:v6+s11+$0x0], $0xffff;
	v5 =	vand.u32 $0xFFFF0000, v5;
	[tilespmem:s21+$0x2800] =	vst v0  }
0x117: {  	s23 =	sor.u32 $0x300, s6;
	v0 =	vshll.u32 v9, $0x10;
	[tilespmem:s22+$0x2800] =	vst v5;
	v5 =	vadd.s32 $0x1400, v1  }
0x118: {  	s25 =	sadd.s32 $0x6800, s0;
	s24 =	sor.u32 $0x380, s6;
	v9 =	vand.u32 $0xFFFF0000, v9;
	[tilespmem:s23+$0x2800] =	vst v0;
	v10 =	vld.idx.msk [tilespmem:v10+s11+$0x0], $0xffff  }
0x119: {  	s8 =	sor.u32 s30, s25;
	s7 =	sadd.s32 $0x6880, s0;
	v0 =	vadd.s32 $0x1000, v2;
	[tilespmem:s24+$0x2800] =	vst v9;
	v9 =	vshll.u32 v7, $0x10  }
0x11a: {  	s9 =	sor.u32 s30, s7;
	v8 =	vld.idx.msk [tilespmem:v8+s11+$0x0], $0xffff;
	v7 =	vand.u32 $0xFFFF0000, v7;
	[tilespmem:s8+$0x0] =	vst v9  }
0x11b: {  	s10 =	sor.u32 $0x300, s3;
	v9 =	vadd.s32 $0x1400, v4;
	v11 =	vshll.u32 v6, $0x10;
	[tilespmem:s9+$0x0] =	vst v7  }
0x11c: {  	s3 =	sor.u32 $0x380, s3;
	v6 =	vand.u32 $0xFFFF0000, v6;
	[tilespmem:s10+$0x2800] =	vst v11;
	v5 =	vld.idx.msk [tilespmem:v5+s11+$0x0], $0xffff  }
0x11d: {  	s12 =	sor.u32 s29, s25;
	v7 =	vadd.s32 $0x1400, v3;
	[tilespmem:s3+$0x2800] =	vst v6;
	v6 =	vshll.u32 v10, $0x10  }
0x11e: {  	s13 =	sor.u32 s29, s7;
	v0 =	vld.idx.msk [tilespmem:v0+s11+$0x0], $0xffff;
	v10 =	vand.u32 $0xFFFF0000, v10;
	[tilespmem:s12+$0x0] =	vst v6  }
0x11f: {  	s14 =	sor.u32 s26, s25;
	v6 =	vshll.u32 v8, $0x10;
	[tilespmem:s13+$0x0] =	vst v10;
	v10 =	vadd.s32 $0x1800, v1  }
0x120: {  	s15 =	sor.u32 s26, s7;
	s16 =	sadd.s32 $0x6900, s0;
	v8 =	vand.u32 $0xFFFF0000, v8;
	[tilespmem:s14+$0x0] =	vst v6;
	v9 =	vld.idx.msk [tilespmem:v9+s11+$0x0], $0xffff  }
0x121: {  	s17 =	sadd.s32 $0x6980, s0;
	s20 =	sor.u32 s30, s16;
	s23 =	simm.s32 $0x440;
	v6 =	vadd.s32 $0x1400, v2;
	[tilespmem:s15+$0x0] =	vst v8;
	v8 =	vshll.u32 v5, $0x10  }
0x122: {  	s21 =	sor.u32 s30, s17;
	s19 =	sand.u32 $0x40, s23;
	v7 =	vld.idx.msk [tilespmem:v7+s11+$0x0], $0xffff;
	v5 =	vand.u32 $0xFFFF0000, v5;
	[tilespmem:s20+$0x0] =	vst v8  }
0x123: {  	s4 =	sor.u32 s28, s25;
	s24 =	sand.u32 $0x780, s23;
	s22 =	sor.u32 $0x30, s19;
	v8 =	vadd.s32 $0x1800, v4;
	v11 =	vshll.u32 v0, $0x10;
	[tilespmem:s21+$0x0] =	vst v5  }
0x124: {  	s1 =	sor.u32 s28, s7;
	s25 =	sor.u32 s22, s24;
	v0 =	vand.u32 $0xFFFF0000, v0;
	[tilespmem:s4+$0x0] =	vst v11;
	v5 =	vld.idx.msk [tilespmem:v10+s11+$0x0], $0xffff  }
0x125: {  	s6 =	sor.u32 s29, s16;
	s21 =	sor.u32 $0x10, s19;
	v10 =	vadd.s32 $0x1800, v3;
	[tilespmem:s1+$0x0] =	vst v0;
	v0 =	vld [tilespmem:s25+$0x0];
	v11 =	vshll.u32 v9, $0x10  }
0x126: {  	s9 =	sor.u32 s29, s17;
	s8 =	sor.u32 s21, s24;
	v12 =	vld.idx.msk [tilespmem:v6+s11+$0x0], $0xffff;
	v9 =	vand.u32 $0xFFFF0000, v9;
	[tilespmem:s6+$0x0] =	vst v11  }
0x127: {  	s10 =	sor.u32 s26, s16;
	s20 =	sor.u32 $0x20, s19;
	v6 =	vld [tilespmem:s8+$0x0];
	v11 =	vshll.u32 v7, $0x10;
	[tilespmem:s9+$0x0] =	vst v9;
	v9 =	vadd.s32 $0x1C00, v1  }
0x128: {  	s7 =	sadd.s32 $0x6A00, s0;
	s13 =	sor.u32 s26, s17;
	s12 =	sor.u32 s20, s24;
	v1 =	vand.u32 $0xFFFF0000, v7;
	[tilespmem:s10+$0x0] =	vst v11;
	v8 =	vld.idx.msk [tilespmem:v8+s11+$0x0], $0xffff  }
0x129: {  	s14 =	sor.u32 s30, s7;
	s4 =	sadd.s32 $0x6A80, s0;
	v7 =	vld [tilespmem:s12+$0x0];
	[tilespmem:s13+$0x0] =	vst v1;
	v1 =	vshll.u32 v5, $0x10  }
0x12a: {  	s15 =	sor.u32 s30, s4;
	v10 =	vld.idx.msk [tilespmem:v10+s11+$0x0], $0xffff;
	v5 =	vand.u32 $0xFFFF0000, v5;
	[tilespmem:s14+$0x0] =	vst v1  }
0x12b: {  	s3 =	sor.u32 s28, s16;
	v11 =	vshll.u32 v12, $0x10;
	v1 =	vld [tilespmem:s23+$0x0];
	[tilespmem:s15+$0x0] =	vst v5  }
0x12c: {  	s16 =	sor.u32 s28, s17;
	v12 =	vand.u32 $0xFFFF0000, v12;
	[tilespmem:s3+$0x0] =	vst v11;
	v9 =	vld.idx.msk [tilespmem:v9+s11+$0x0], $0xffff  }
0x12d: {  	s17 =	sor.u32 s29, s7;
	v5 =	vadd.s32 $0x1800, v2;
	[tilespmem:s16+$0x0] =	vst v12;
	v11 =	vld.idx.msk [tilespmem:v0+s11+$0x0], $0xffff;
	v12 =	vshll.u32 v8, $0x10  }
0x12e: {  	s24 =	sor.u32 s29, s4;
	v8 =	vand.u32 $0xFFFF0000, v8;
	[tilespmem:s17+$0x0] =	vst v12  }
0x12f: {  	s5 =	sor.u32 s26, s7;
	s25 =	simm.s32 $0x2200;
	v12 =	vshll.u32 v10, $0x10;
	[tilespmem:s24+$0x0] =	vst v8  }
0x130: {  	s1 =	sadd.s32 $0x6B00, s0;
	s6 =	sor.u32 s26, s4;
	v10 =	vand.u32 $0xFFFF0000, v10;
	v8 =	vld.idx.msk [tilespmem:v6+s11+$0x0], $0xffff;
	s24 =	sand.u32 $0x3C00, s25;
	[tilespmem:s5+$0x0] =	vst v12  }
0x131: {  	s9 =	sor.u32 s30, s1;
	s8 =	sadd.s32 $0x2800, s24;
	[tilespmem:s6+$0x0] =	vst v10;
	v10 =	vshll.u32 v9, $0x10  }
0x132: {  	v5 =	vld.idx.msk [tilespmem:v5+s11+$0x0], $0xffff;
	v12 =	vshll.u32 v11, $0x10;
	s10 =	sor.u32 s22, s8;
	[tilespmem:s9+$0x0] =	vst v10;
	v10 =	vadd.s32 $0x400, v0  }
0x133: {  	s0 =	sadd.s32 $0x6B80, s0;
	v13 =	vld.idx.msk [tilespmem:v7+s11+$0x0], $0xffff;
	v11 =	vand.u32 $0xFFFF0000, v11;
	[tilespmem:s10+$0x0] =	vst v12  }
0x134: {  	s12 =	sor.u32 s30, s0;
	v9 =	vand.u32 $0xFFFF0000, v9;
	v12 =	vadd.s32 $0x400, v6;
	[tilespmem:s10+$0x80] =	vst v11  }
0x135: {  	s13 =	sor.u32 s21, s8;
	[tilespmem:s12+$0x0] =	vst v9;
	v9 =	vld.idx.msk [tilespmem:v1+s11+$0x0], $0xffff;
	v14 =	vshll.u32 v8, $0x10  }
0x136: {  	v11 =	vadd.s32 $0x400, v7;
	v8 =	vand.u32 $0xFFFF0000, v8;
	[tilespmem:s13+$0x0] =	vst v14  }
0x137: {  	s7 =	sor.u32 s28, s7;
	v15 =	vshll.u32 v5, $0x10;
	[tilespmem:s13+$0x80] =	vst v8;
	v10 =	vld.idx.msk [tilespmem:v10+s11+$0x0], $0xffff  }
0x138: {  	s14 =	sor.u32 s20, s8;
	v14 =	vshll.u32 v13, $0x10;
	[tilespmem:s7+$0x0] =	vst v15;
	v15 =	vadd.s32 $0x400, v1  }
0x139: {  	v8 =	vand.u32 $0xFFFF0000, v13;
	[tilespmem:s14+$0x0] =	vst v14;
	v12 =	vld.idx.msk [tilespmem:v12+s11+$0x0], $0xffff  }
0x13a: {  	s5 =	sor.u32 s19, s8;
	[tilespmem:s14+$0x80] =	vst v8;
	v13 =	vshll.u32 v9, $0x10  }
0x13b: {  	v8 =	vand.u32 $0xFFFF0000, v9;
	v9 =	vld.idx.msk [tilespmem:v11+s11+$0x0], $0xffff;
	v11 =	vadd.s32 $0x800, v0;
	[tilespmem:s5+$0x0] =	vst v13  }
0x13c: {  	[tilespmem:s5+$0x80] =	vst v8;
	v8 =	vshll.u32 v10, $0x10  }
0x13d: {  	v13 =	vadd.s32 $0x800, v6;
	v14 =	vld.idx.msk [tilespmem:v15+s11+$0x0], $0xffff;
	v10 =	vand.u32 $0xFFFF0000, v10;
	[tilespmem:s10+$0x100] =	vst v8  }
0x13e: {  	v8 =	vshll.u32 v12, $0x10;
	[tilespmem:s10+$0x180] =	vst v10  }
0x13f: {  	v10 =	vadd.s32 $0x800, v7;
	v12 =	vand.u32 $0xFFFF0000, v12;
	[tilespmem:s13+$0x100] =	vst v8  }
0x140: {  	p0 =	por !p0, !p0;
	s3 =	simm.s32 $0x1;
	v8 =	vld.idx.msk [tilespmem:v11+s11+$0x0], $0xffff;
	[tilespmem:s13+$0x180] =	vst v12;
	v11 =	vshll.u32 v9, $0x10  }
0x141: {  	s3 =	simm.s32 @!p0 $0x0;
	v12 =	vadd.s32 $0x800, v1;
	v9 =	vand.u32 $0xFFFF0000, v9;
	[tilespmem:s14+$0x100] =	vst v11  }
0x142: {  	s3 =	sshll.u32 s3, $0x6;
	v11 =	vld.idx.msk [tilespmem:v13+s11+$0x0], $0xffff;
	[tilespmem:s14+$0x180] =	vst v9;
	v13 =	vshll.u32 v14, $0x10  }
0x143: {  	v4 =	vadd.s32 $0x1C00, v4;
	s3 =	sadd.s32 $0x200, s3;
	v9 =	vand.u32 $0xFFFF0000, v14;
	[tilespmem:s5+$0x100] =	vst v13  }
0x144: {  	s4 =	sor.u32 s28, s4;
	v5 =	vand.u32 $0xFFFF0000, v5;
	v13 =	vadd.s32 $0xC00, v0;
	[tilespmem:s5+$0x180] =	vst v9;
	s5 =	sadd.s32 $0x2030, s3;
	v10 =	vld.idx.msk [tilespmem:v10+s11+$0x0], $0xffff  }
0x145: {  	[tilespmem:s4+$0x0] =	vst v5;
	s15 =	sor.u32 $0x200, s5;
	v9 =	vshll.u32 v8, $0x10  }
0x146: {  	v5 =	vadd.s32 $0xC00, v6;
	s4 =	sadd.s32 $0x2010, s3;
	s16 =	sor.u32 $0x280, s5;
	v12 =	vld.idx.msk [tilespmem:v12+s11+$0x0], $0xffff;
	v8 =	vand.u32 $0xFFFF0000, v8;
	[tilespmem:s15+$0x2800] =	vst v9  }
0x147: {  	s17 =	sor.u32 $0x200, s4;
	v9 =	vshll.u32 v11, $0x10;
	[tilespmem:s16+$0x2800] =	vst v8  }
0x148: {  	v4 =	vld.idx.msk [tilespmem:v4+s11+$0x0], $0xffff;
	s8 =	sadd.s32 $0x2020, s3;
	s9 =	sor.u32 $0x280, s4;
	v11 =	vand.u32 $0xFFFF0000, v11;
	[tilespmem:s17+$0x2800] =	vst v9  }
0x149: {  	s10 =	sor.u32 $0x200, s8;
	v8 =	vadd.s32 $0xC00, v7;
	[tilespmem:s9+$0x2800] =	vst v11;
	v9 =	vld.idx.msk [tilespmem:v13+s11+$0x0], $0xffff;
	v11 =	vshll.u32 v10, $0x10  }
0x14a: {  	s12 =	sor.u32 $0x280, s8;
	s3 =	sadd.s32 $0x2000, s3;
	v10 =	vand.u32 $0xFFFF0000, v10;
	[tilespmem:s10+$0x2800] =	vst v11  }
0x14b: {  	s13 =	sor.u32 $0x200, s3;
	v5 =	vld.idx.msk [tilespmem:v5+s11+$0x0], $0xffff;
	v11 =	vadd.s32 $0xC00, v1;
	[tilespmem:s12+$0x2800] =	vst v10;
	v10 =	vshll.u32 v12, $0x10  }
0x14c: {  	s14 =	sor.u32 $0x280, s3;
	[tilespmem:s13+$0x2800] =	vst v10;
	v10 =	vand.u32 $0xFFFF0000, v12  }
0x14d: {  	s15 =	sor.u32 s29, s1;
	v12 =	vadd.s32 $0x1000, v0;
	[tilespmem:s14+$0x2800] =	vst v10;
	v10 =	vshll.u32 v4, $0x10  }
0x14e: {  	v2 =	vadd.s32 $0x1C00, v2;
	s16 =	sor.u32 $0x300, s5;
	v8 =	vld.idx.msk [tilespmem:v8+s11+$0x0], $0xffff;
	v13 =	vshll.u32 v9, $0x10;
	[tilespmem:s15+$0x0] =	vst v10  }
0x14f: {  	s5 =	sor.u32 $0x380, s5;
	v9 =	vand.u32 $0xFFFF0000, v9;
	[tilespmem:s16+$0x2800] =	vst v13;
	v10 =	vadd.s32 $0x1000, v6  }
0x150: {  	v3 =	vadd.s32 $0x1C00, v3;
	s17 =	sor.u32 $0x300, s4;
	v11 =	vld.idx.msk [tilespmem:v11+s11+$0x0], $0xffff;
	[tilespmem:s5+$0x2800] =	vst v9;
	v9 =	vshll.u32 v5, $0x10  }
0x151: {  	s4 =	sor.u32 $0x380, s4;
	v5 =	vand.u32 $0xFFFF0000, v5;
	[tilespmem:s17+$0x2800] =	vst v9;
	v9 =	vadd.s32 $0x1000, v7  }
0x152: {  	[tilespmem:s4+$0x2800] =	vst v5;
	v5 =	vld.idx.msk [tilespmem:v12+s11+$0x0], $0xffff  }
0x153: {  	v14 =	vld.idx.msk [tilespmem:v2+s11+$0x0], $0xffff;
	s5 =	sor.u32 $0x300, s8;
	v12 =	vshll.u32 v8, $0x10  }
0x154: {  	s6 =	sor.u32 $0x380, s8;
	v13 =	vadd.s32 $0x1000, v1;
	v8 =	vand.u32 $0xFFFF0000, v8;
	[tilespmem:s5+$0x2800] =	vst v12;
	v10 =	vld.idx.msk [tilespmem:v10+s11+$0x0], $0xffff  }
0x155: {  	s7 =	sor.u32 $0x300, s3;
	[tilespmem:s6+$0x2800] =	vst v8;
	v8 =	vld.idx.msk [tilespmem:v3+s11+$0x0], $0xffff;
	v12 =	vshll.u32 v11, $0x10  }
0x156: {  	s3 =	sor.u32 $0x380, s3;
	s9 =	sadd.s32 $0x6800, s24;
	v3 =	vand.u32 $0xFFFF0000, v11;
	[tilespmem:s7+$0x2800] =	vst v12;
	v9 =	vld.idx.msk [tilespmem:v9+s11+$0x0], $0xffff  }
0x157: {  	s10 =	sadd.s32 $0x6880, s24;
	s12 =	sor.u32 s22, s9;
	v12 =	vadd.s32 $0x1400, v0;
	[tilespmem:s3+$0x2800] =	vst v3;
	v2 =	vshll.u32 v5, $0x10  }
0x158: {  	s13 =	sor.u32 s22, s10;
	v3 =	vand.u32 $0xFFFF0000, v5;
	[tilespmem:s12+$0x0] =	vst v2  }
0x159: {  	v16 =	vadd.s32 $0x1400, v7;
	v15 =	vadd.s32 $0x1400, v6;
	s14 =	sor.u32 s21, s9;
	v13 =	vld.idx.msk [tilespmem:v13+s11+$0x0], $0xffff;
	v2 =	vshll.u32 v10, $0x10;
	[tilespmem:s13+$0x0] =	vst v3  }
0x15a: {  	v4 =	vand.u32 $0xFFFF0000, v4;
	s15 =	sor.u32 s21, s10;
	v5 =	vadd.s32 $0x1800, v6;
	v10 =	vand.u32 $0xFFFF0000, v10;
	[tilespmem:s14+$0x0] =	vst v2  }
0x15b: {  	s16 =	sor.u32 s20, s9;
	v3 =	vadd.s32 $0x1C00, v6;
	[tilespmem:s15+$0x0] =	vst v10;
	v6 =	vshll.u32 v9, $0x10;
	v10 =	vshll.u32 v14, $0x10  }
0x15c: {  	s31 =	simm.s32 $0x480;
	s8 =	sor.u32 s29, s0;
	v12 =	vld.idx.msk [tilespmem:v12+s11+$0x0], $0xffff;
	[tilespmem:s16+$0x0] =	vst v6;
	v6 =	vand.u32 $0xFFFF0000, v9;
	v9 =	vand.u32 $0xFFFF0000, v14;
	v14 =	vadd.s32 $0x1400, v1  }
0x15d: {  	s30 =	simm.s32 $0x200;
	s29 =	sor.u32 s28, s1;
	[tilespmem:s8+$0x0] =	vst v4;
	v4 =	vadd.s32 $0x1800, v7;
	s17 =	sor.u32 s20, s10  }
0x15e: {  	s28 =	sor.u32 s28, s0;
	s1 =	sor.u32 s26, s1;
	s3 =	sor.u32 s19, s9;
	v11 =	vshll.u32 v8, $0x10;
	v2 =	vadd.s32 $0x1C00, v7;
	v7 =	vld.idx.msk [tilespmem:v15+s11+$0x0], $0xffff;
	v17 =	vshll.u32 v13, $0x10;
	[tilespmem:s17+$0x0] =	vst v6  }
0x15f: {  	s0 =	sor.u32 s26, s0;
	s26 =	simm.s32 $0x44;
	s4 =	sor.u32 s19, s10;
	v8 =	vand.u32 $0xFFFF0000, v8;
	v15 =	vand.u32 $0xFFFF0000, v13;
	v13 =	vadd.s32 $0x1800, v0;
	[tilespmem:s3+$0x0] =	vst v17;
	v6 =	vld.idx.msk [tilespmem:v16+s11+$0x0], $0xffff  }
.LBB2_4:
0x160: {  	s13 =	sand.u32 $0x40, s31;
	s3 =	sand.u32 $0x780, s31;
	[tilespmem:s4+$0x0] =	vst v15;
	s4 =	sadd.s32 $0x6900, s24  }
0x161: {  	s5 =	sadd.s32 $0x6980, s24;
	v15 =	vshll.u32 v12, $0x10;
	s12 =	sor.u32 $0x30, s13;
	v14 =	vld.idx.msk [tilespmem:v14+s11+$0x0], $0xffff;
	s6 =	sor.u32 s22, s4;
	[tilespmem:s1+$0x0] =	vst v11  }
0x162: {  	s15 =	sor.u32 $0x10, s13;
	v11 =	vand.u32 $0xFFFF0000, v12;
	s1 =	sor.u32 s12, s3;
	[tilespmem:s6+$0x0] =	vst v15;
	s6 =	sor.u32 s22, s5  }
0x163: {  	s16 =	sor.u32 $0x20, s13;
	s7 =	sor.u32 s15, s3;
	v12 =	vshll.u32 v7, $0x10;
	v7 =	vand.u32 $0xFFFF0000, v7;
	v16 =	vld [tilespmem:s1+$0x0];
	s1 =	sor.u32 s19, s4;
	[tilespmem:s6+$0x0] =	vst v11  }
0x164: {  	s8 =	sor.u32 s21, s4;
	s3 =	sor.u32 s16, s3;
	s6 =	sor.u32 s19, s5;
	v11 =	vld.idx.msk [tilespmem:v13+s11+$0x0], $0xffff;
	[tilespmem:s0+$0x0] =	vst v8  }
0x165: {  	s4 =	sor.u32 s20, s4;
	s0 =	sor.u32 s21, s5;
	s5 =	sor.u32 s20, s5;
	v8 =	vld [tilespmem:s7+$0x0];
	[tilespmem:s8+$0x0] =	vst v12;
	v12 =	vshll.u32 v6, $0x10;
	v6 =	vand.u32 $0xFFFF0000, v6  }
0x166: {  	v13 =	vadd.s32 $0x1800, v1;
	v20 =	vld [tilespmem:s3+$0x0];
	[tilespmem:s0+$0x0] =	vst v7  }
0x167: {  	v7 =	vshll.u32 v14, $0x10;
	v14 =	vand.u32 $0xFFFF0000, v14;
	v21 =	vld.idx.msk [tilespmem:v5+s11+$0x0], $0xffff;
	[tilespmem:s4+$0x0] =	vst v12  }
0x168: {  	v5 =	vadd.s32 $0x1C00, v0;
	[tilespmem:s5+$0x0] =	vst v6;
	v0 =	vmov v16  }
0x169: {  	s23 =	sadd.s32 $0x40, s23;
	s0 =	sadd.s32 $0x6A00, s24;
	[tilespmem:s1+$0x0] =	vst v7;
	v22 =	vld.idx.msk [tilespmem:v4+s11+$0x0], $0xffff  }
0x16a: {  	s3 =	sor.u32 s22, s0;
	s5 =	sor.u32 s19, s0;
	s1 =	sadd.s32 $0x6A80, s24;
	v4 =	vshll.u32 v11, $0x10;
	v17 =	vld [tilespmem:s23+$0x0];
	v23 =	vadd.s32 $0x400, v8;
	v19 =	vadd.s32 $0x800, v8;
	[tilespmem:s6+$0x0] =	vst v14  }
0x16b: {  	s26 =	sadd.s32 $0x4, s26;
	v6 =	vand.u32 $0xFFFF0000, v11;
	s10 =	sor.u32 s19, s1;
	v24 =	vadd.s32 $0x400, v20;
	v18 =	vadd.s32 $0x800, v20;
	v25 =	vld.idx.msk [tilespmem:v13+s11+$0x0], $0xffff;
	[tilespmem:s3+$0x0] =	vst v4;
	s3 =	sor.u32 s22, s1  }
0x16c: {  	p1 =	slt.u32 s26, $0x7C;
	s4 =	sor.u32 s21, s0;
	v15 =	vadd.s32 $0xC00, v8;
	v12 =	vadd.s32 $0x1000, v8;
	s6 =	sor.u32 s21, s1;
	v14 =	vadd.s32 $0xC00, v20;
	v11 =	vld.idx.msk [tilespmem:v16+s11+$0x0], $0xffff;
	[tilespmem:s3+$0x0] =	vst v6  }
0x16d: {  	s0 =	sor.u32 s20, s0;
	v7 =	vadd.s32 $0x1400, v8;
	v13 =	vadd.s32 $0x1000, v20;
	s1 =	sor.u32 s20, s1;
	v6 =	vadd.s32 $0x1400, v20;
	v16 =	vld.idx.msk [tilespmem:v5+s11+$0x0], $0xffff;
	[tilespmem:s29+$0x0] =	vst v10  }
0x16e: {  	v4 =	vadd.s32 $0x1800, v20;
	v26 =	vshll.u32 v21, $0x10;
	v5 =	vadd.s32 $0x1800, v8;
	v10 =	vld.idx.msk [tilespmem:v8+s11+$0x0], $0xffff;
	[tilespmem:s28+$0x0] =	vst v9  }
0x16f: {  	s25 =	sadd.s32 $0x200, s25;
	v21 =	vand.u32 $0xFFFF0000, v21;
	v9 =	vld.idx.msk [tilespmem:v20+s11+$0x0], $0xffff;
	[tilespmem:s4+$0x0] =	vst v26;
	v26 =	vshll.u32 v22, $0x10;
	v22 =	vand.u32 $0xFFFF0000, v22  }
0x170: {  	s3 =	sand.u32 $0x3C00, s25;
	v8 =	vadd.s32 $0x1C00, v8;
	v20 =	vadd.s32 $0x1C00, v20;
	[tilespmem:s6+$0x0] =	vst v21  }
0x171: {  	s4 =	sadd.s32 $0x2800, s3;
	v21 =	vshll.u32 v25, $0x10;
	v25 =	vand.u32 $0xFFFF0000, v25;
	v27 =	vld.idx.msk [tilespmem:v3+s11+$0x0], $0xffff;
	[tilespmem:s0+$0x0] =	vst v26;
	v3 =	vmov v8  }
0x172: {  	s8 =	sor.u32 s13, s4;
	s6 =	sor.u32 s12, s4;
	v8 =	vshll.u32 v11, $0x10;
	v26 =	vadd.s32 $0x400, v0;
	s0 =	sadd.s32 $0x6B00, s24;
	[tilespmem:s1+$0x0] =	vst v22  }
0x173: {  	s7 =	sadd.s32 $0x6B80, s24;
	s17 =	sor.u32 s15, s4;
	v22 =	vshll.u32 v16, $0x10;
	s1 =	sor.u32 s22, s0;
	[tilespmem:s6+$0x0] =	vst v8;
	v8 =	vld.idx.msk [tilespmem:v2+s11+$0x0], $0xffff;
	v2 =	vmov v20  }
0x174: {  	s14 =	sor.u32 s16, s4;
	s29 =	sor.u32 s19, s0;
	v16 =	vand.u32 $0xFFFF0000, v16;
	v28 =	vshll.u32 v10, $0x10;
	v10 =	vand.u32 $0xFFFF0000, v10;
	v20 =	vld.idx.msk [tilespmem:v17+s11+$0x0], $0xffff;
	[tilespmem:s1+$0x0] =	vst v22;
	s1 =	sor.u32 s22, s7  }
0x175: {  	s9 =	sor.u32 s21, s7;
	s28 =	sor.u32 s19, s7;
	v11 =	vand.u32 $0xFFFF0000, v11;
	s4 =	sor.u32 s21, s0;
	v22 =	vshll.u32 v9, $0x10;
	v9 =	vand.u32 $0xFFFF0000, v9;
	[tilespmem:s1+$0x0] =	vst v16  }
0x176: {  	s19 =	smov.u32 s13;
	s1 =	sor.u32 s20, s0;
	s0 =	sor.u32 s20, s7;
	[tilespmem:s6+$0x80] =	vst v11  }
0x177: {  	s21 =	smov.u32 s15;
	s22 =	smov.u32 s12;
	s20 =	smov.u32 s16;
	v16 =	vand.u32 $0xFFFF0000, v27;
	[tilespmem:s17+$0x0] =	vst v28;
	v26 =	vld.idx.msk [tilespmem:v26+s11+$0x0], $0xffff;
	v28 =	vshll.u32 v27, $0x10  }
0x178: {  	s24 =	smov.u32 s3;
	v27 =	vadd.s32 $0x400, v17;
	[tilespmem:s17+$0x80] =	vst v10  }
0x179: {  	v11 =	vshll.u32 v8, $0x10;
	v8 =	vand.u32 $0xFFFF0000, v8;
	v10 =	vld.idx.msk [tilespmem:v23+s11+$0x0], $0xffff;
	[tilespmem:s14+$0x0] =	vst v22  }
0x17a: {  	v22 =	vshll.u32 v20, $0x10;
	[tilespmem:s14+$0x80] =	vst v9  }
0x17b: {  	v9 =	vand.u32 $0xFFFF0000, v20;
	[tilespmem:s8+$0x0] =	vst v22;
	v20 =	vld.idx.msk [tilespmem:v24+s11+$0x0], $0xffff;
	v22 =	vadd.s32 $0x800, v0  }
0x17c: {  	[tilespmem:s8+$0x80] =	vst v9  }
0x17d: {  	v23 =	vshll.u32 v26, $0x10;
	v9 =	vld.idx.msk [tilespmem:v27+s11+$0x0], $0xffff;
	[tilespmem:s5+$0x0] =	vst v21  }
0x17e: {  	v21 =	vand.u32 $0xFFFF0000, v26;
	[tilespmem:s6+$0x100] =	vst v23  }
0x17f: {  	v23 =	vshll.u32 v10, $0x10;
	v10 =	vand.u32 $0xFFFF0000, v10;
	[tilespmem:s6+$0x180] =	vst v21  }
0x180: {  	[tilespmem:s17+$0x100] =	vst v23;
	v21 =	vld.idx.msk [tilespmem:v22+s11+$0x0], $0xffff  }
0x181: {  	p0 =	por !p0, !p0;
	s3 =	simm.s32 $0x1;
	v22 =	vadd.s32 $0x800, v17;
	[tilespmem:s17+$0x180] =	vst v10;
	v10 =	vshll.u32 v20, $0x10;
	v20 =	vand.u32 $0xFFFF0000, v20  }
0x182: {  	s3 =	simm.s32 @!p0 $0x0;
	v19 =	vld.idx.msk [tilespmem:v19+s11+$0x0], $0xffff;
	[tilespmem:s14+$0x100] =	vst v10;
	v10 =	vadd.s32 $0x1C00, v1;
	v1 =	vmov v17  }
0x183: {  	s30 =	sadd.s32 $0x200, s30;
	s3 =	sshll.u32 s3, $0x6;
	v17 =	vshll.u32 v9, $0x10;
	v9 =	vand.u32 $0xFFFF0000, v9;
	[tilespmem:s14+$0x180] =	vst v20  }
0x184: {  	s3 =	sadd.s32 s3, s30;
	[tilespmem:s8+$0x100] =	vst v17;
	v17 =	vld.idx.msk [tilespmem:v18+s11+$0x0], $0xffff;
	v18 =	vadd.s32 $0xC00, v0  }
0x185: {  	s7 =	sadd.s32 $0x2030, s3;
	s5 =	sadd.s32 $0x2000, s3;
	s6 =	sadd.s32 $0x2010, s3;
	[tilespmem:s8+$0x180] =	vst v9  }
0x186: {  	s12 =	sor.u32 $0x200, s7;
	s3 =	sadd.s32 $0x2020, s3;
	s8 =	sor.u32 $0x200, s5;
	v20 =	vshll.u32 v21, $0x10;
	v9 =	vld.idx.msk [tilespmem:v22+s11+$0x0], $0xffff;
	[tilespmem:s10+$0x0] =	vst v25  }
0x187: {  	s13 =	sor.u32 $0x200, s6;
	v21 =	vand.u32 $0xFFFF0000, v21;
	s10 =	sor.u32 $0x280, s5;
	[tilespmem:s12+$0x2800] =	vst v20;
	s12 =	sor.u32 $0x280, s7;
	v20 =	vld.idx.msk [tilespmem:v10+s11+$0x0], $0xffff  }
0x188: {  	s15 =	sor.u32 $0x200, s3;
	s16 =	sor.u32 $0x280, s3;
	s14 =	sor.u32 $0x280, s6;
	v10 =	vshll.u32 v19, $0x10;
	v19 =	vand.u32 $0xFFFF0000, v19;
	[tilespmem:s12+$0x2800] =	vst v21  }
0x189: {  	s12 =	sor.u32 $0x300, s5;
	s5 =	sor.u32 $0x380, s5;
	[tilespmem:s13+$0x2800] =	vst v10;
	s13 =	sor.u32 $0x300, s6;
	v18 =	vld.idx.msk [tilespmem:v18+s11+$0x0], $0xffff  }
0x18a: {  	v21 =	vadd.s32 $0xC00, v1;
	s6 =	sor.u32 $0x380, s6;
	v10 =	vshll.u32 v17, $0x10;
	v17 =	vand.u32 $0xFFFF0000, v17;
	[tilespmem:s14+$0x2800] =	vst v19;
	s14 =	sor.u32 $0x300, s3;
	s3 =	sor.u32 $0x380, s3  }
0x18b: {  	v15 =	vld.idx.msk [tilespmem:v15+s11+$0x0], $0xffff;
	[tilespmem:s15+$0x2800] =	vst v10  }
0x18c: {  	v10 =	vshll.u32 v9, $0x10;
	v19 =	vand.u32 $0xFFFF0000, v9;
	[tilespmem:s16+$0x2800] =	vst v17  }
0x18d: {  	v17 =	vadd.s32 $0x1000, v0;
	v9 =	vand.u32 $0xFFFF0000, v20;
	[tilespmem:s8+$0x2800] =	vst v10;
	v14 =	vld.idx.msk [tilespmem:v14+s11+$0x0], $0xffff;
	v10 =	vshll.u32 v20, $0x10  }
0x18e: {  	[tilespmem:s10+$0x2800] =	vst v19  }
0x18f: {  	s8 =	sor.u32 $0x300, s7;
	v20 =	vshll.u32 v18, $0x10;
	v19 =	vld.idx.msk [tilespmem:v21+s11+$0x0], $0xffff;
	[tilespmem:s4+$0x0] =	vst v28  }
0x190: {  	v18 =	vand.u32 $0xFFFF0000, v18;
	s4 =	sor.u32 $0x380, s7;
	[tilespmem:s8+$0x2800] =	vst v20  }
0x191: {  	v20 =	vshll.u32 v15, $0x10;
	v15 =	vand.u32 $0xFFFF0000, v15;
	[tilespmem:s4+$0x2800] =	vst v18  }
0x192: {  	[tilespmem:s13+$0x2800] =	vst v20;
	v17 =	vld.idx.msk [tilespmem:v17+s11+$0x0], $0xffff  }
0x193: {  	v18 =	vadd.s32 $0x1000, v1;
	[tilespmem:s6+$0x2800] =	vst v15;
	v15 =	vshll.u32 v14, $0x10;
	v14 =	vand.u32 $0xFFFF0000, v14  }
0x194: {  	v12 =	vld.idx.msk [tilespmem:v12+s11+$0x0], $0xffff;
	[tilespmem:s14+$0x2800] =	vst v15  }
0x195: {  	v15 =	vshll.u32 v19, $0x10;
	v19 =	vand.u32 $0xFFFF0000, v19;
	[tilespmem:s3+$0x2800] =	vst v14  }
0x196: {  	v14 =	vadd.s32 $0x1400, v0;
	[tilespmem:s12+$0x2800] =	vst v15;
	v13 =	vld.idx.msk [tilespmem:v13+s11+$0x0], $0xffff  }
0x197: {  	s3 =	sadd.s32 $0x6800, s24;
	[tilespmem:s5+$0x2800] =	vst v19  }
0x198: {  	s6 =	sadd.s32 $0x6880, s24;
	s7 =	sor.u32 s22, s3;
	s5 =	sor.u32 s19, s3;
	v15 =	vld.idx.msk [tilespmem:v18+s11+$0x0], $0xffff;
	v18 =	vshll.u32 v17, $0x10;
	[tilespmem:s9+$0x0] =	vst v16  }
0x199: {  	s4 =	sor.u32 s19, s6;
	s8 =	sor.u32 s21, s3;
	v16 =	vand.u32 $0xFFFF0000, v17;
	[tilespmem:s7+$0x0] =	vst v18;
	s7 =	sor.u32 s22, s6  }
0x19a: {  	s3 =	sor.u32 s20, s3;
	s9 =	sor.u32 s21, s6;
	v17 =	vshll.u32 v12, $0x10;
	v18 =	vand.u32 $0xFFFF0000, v12;
	s6 =	sor.u32 s20, s6;
	[tilespmem:s7+$0x0] =	vst v16  }
.Ltmp1:
0x19b: {  	[tilespmem:s8+$0x0] =	vst v17;
	v12 =	vld.idx.msk [tilespmem:v14+s11+$0x0], $0xffff;
	(pc) =	sbr.rel @p1 .LBB2_4-.Ltmp1, $4  }
0x19c: {  	v14 =	vadd.s32 $0x1400, v1;
	v16 =	vshll.u32 v13, $0x10;
	v13 =	vand.u32 $0xFFFF0000, v13;
	[tilespmem:s9+$0x0] =	vst v18  }
0x19d: {  	v7 =	vld.idx.msk [tilespmem:v7+s11+$0x0], $0xffff;
	[tilespmem:s3+$0x0] =	vst v16  }
0x19e: {  	v16 =	vshll.u32 v15, $0x10;
	v15 =	vand.u32 $0xFFFF0000, v15;
	[tilespmem:s6+$0x0] =	vst v13  }
0x19f: {  	s31 =	sadd.s32 $0x40, s31;
	v13 =	vadd.s32 $0x1800, v0;
	[tilespmem:s5+$0x0] =	vst v16;
	v6 =	vld.idx.msk [tilespmem:v6+s11+$0x0], $0xffff  }
0x1a0: {  	[tilespmem:s4+$0x0] =	vst v15  }
0x1a1: {  	[tilespmem:s1+$0x0] =	vst v11  }
0x1a2: {  	[tilespmem:s29+$0x0] =	vst v10  }
0x1a3: {  	s3 =	sadd.s32 $0x6900, s24;
	[tilespmem:s0+$0x0] =	vst v8  }
0x1a4: {  	s14 =	sadd.s32 $0x6980, s24;
	v42 =	vshll.u32 v12, $0x10;
	s5 =	sor.u32 s22, s3;
	[tilespmem:s28+$0x0] =	vst v9  }
0x1a5: {  	v43 =	vand.u32 $0xFFFF0000, v12;
	s15 =	sor.u32 s22, s14;
	v44 =	vld.idx.msk [tilespmem:v14+s11+$0x0], $0xffff;
	[tilespmem:s5+$0x0] =	vst v42  }
0x1a6: {  	s16 =	sor.u32 s21, s3;
	v45 =	vshll.u32 v7, $0x10;
	[tilespmem:s15+$0x0] =	vst v43  }
0x1a7: {  	s17 =	sor.u32 s21, s14;
	v46 =	vand.u32 $0xFFFF0000, v7;
	[tilespmem:s16+$0x0] =	vst v45;
	v47 =	vld.idx.msk [tilespmem:v13+s11+$0x0], $0xffff  }
0x1a8: {  	v50 =	vadd.s32 $0x1800, v1;
	s23 =	sor.u32 s20, s3;
	v48 =	vshll.u32 v6, $0x10;
	[tilespmem:s17+$0x0] =	vst v46  }
0x1a9: {  	s25 =	sor.u32 s20, s14;
	v49 =	vand.u32 $0xFFFF0000, v6;
	[tilespmem:s23+$0x0] =	vst v48;
	v5 =	vld.idx.msk [tilespmem:v5+s11+$0x0], $0xffff  }
0x1aa: {  	v0 =	vadd.s32 $0x1C00, v0;
	s26 =	sor.u32 s19, s3;
	v51 =	vshll.u32 v44, $0x10;
	[tilespmem:s25+$0x0] =	vst v49  }
0x1ab: {  	s31 =	sadd.s32 $0x6A00, s24;
	s30 =	sor.u32 s19, s14;
	v52 =	vand.u32 $0xFFFF0000, v44;
	[tilespmem:s26+$0x0] =	vst v51;
	v4 =	vld.idx.msk [tilespmem:v4+s11+$0x0], $0xffff  }
0x1ac: {  	s6 =	sor.u32 s22, s31;
	s5 =	sadd.s32 $0x6A80, s24;
	[tilespmem:s30+$0x0] =	vst v52;
	v53 =	vshll.u32 v47, $0x10  }
0x1ad: {  	s7 =	sor.u32 s22, s5;
	v8 =	vand.u32 $0xFFFF0000, v47;
	v54 =	vld.idx.msk [tilespmem:v50+s11+$0x0], $0xffff;
	[tilespmem:s6+$0x0] =	vst v53  }
0x1ae: {  	s8 =	sor.u32 s21, s31;
	v55 =	vshll.u32 v5, $0x10;
	[tilespmem:s7+$0x0] =	vst v8  }
0x1af: {  	s9 =	sor.u32 s21, s5;
	v5 =	vand.u32 $0xFFFF0000, v5;
	[tilespmem:s8+$0x0] =	vst v55;
	v0 =	vld.idx.msk [tilespmem:v0+s11+$0x0], $0xffff  }
0x1b0: {  	v57 =	vadd.s32 $0x1C00, v1;
	s10 =	sor.u32 s20, s31;
	v56 =	vshll.u32 v4, $0x10;
	[tilespmem:s9+$0x0] =	vst v5  }
0x1b1: {  	s12 =	sor.u32 s20, s5;
	v4 =	vand.u32 $0xFFFF0000, v4;
	v3 =	vld.idx.msk [tilespmem:v3+s11+$0x0], $0xffff;
	[tilespmem:s10+$0x0] =	vst v56  }
0x1b2: {  	s1 =	sor.u32 s19, s31;
	v58 =	vshll.u32 v54, $0x10;
	[tilespmem:s12+$0x0] =	vst v4  }
0x1b3: {  	s13 =	sadd.s32 $0x6B00, s24;
	s0 =	sor.u32 s19, s5;
	v59 =	vand.u32 $0xFFFF0000, v54;
	v2 =	vld.idx.msk [tilespmem:v2+s11+$0x0], $0xffff;
	[tilespmem:s1+$0x0] =	vst v58  }
0x1b4: {  	s14 =	sadd.s32 $0x6B80, s24;
	s15 =	sor.u32 s22, s13;
	[tilespmem:s0+$0x0] =	vst v59;
	v60 =	vshll.u32 v0, $0x10  }
0x1b5: {  	s16 =	sor.u32 s22, s14;
	v0 =	vand.u32 $0xFFFF0000, v0;
	v1 =	vld.idx.msk [tilespmem:v57+s11+$0x0], $0xffff;
	[tilespmem:s15+$0x0] =	vst v60  }
0x1b6: {  	s17 =	sor.u32 s21, s13;
	v61 =	vshll.u32 v3, $0x10;
	[tilespmem:s16+$0x0] =	vst v0  }
0x1b7: {  	s21 =	sor.u32 s21, s14;
	v3 =	vand.u32 $0xFFFF0000, v3;
	[tilespmem:s17+$0x0] =	vst v61  }
0x1b8: {  	s22 =	sor.u32 s20, s13;
	v62 =	vshll.u32 v2, $0x10;
	[tilespmem:s21+$0x0] =	vst v3  }
0x1b9: {  	s23 =	sor.u32 s20, s14;
	v2 =	vand.u32 $0xFFFF0000, v2;
	[tilespmem:s22+$0x0] =	vst v62  }
0x1ba: {  	s3 =	sor.u32 s19, s13;
	v63 =	vshll.u32 v1, $0x10;
	[tilespmem:s23+$0x0] =	vst v2  }
0x1bb: {  	s24 =	sor.u32 s19, s14;
	v1 =	vand.u32 $0xFFFF0000, v1;
	[tilespmem:s3+$0x0] =	vst v63  }
0x1bc: {  	s25 =	simm.s32 $0x2;
	[tilespmem:s24+$0x0] =	vst v1  }
0x1bd: {  	_ =	swait.ge [sflag:s25], $0x4000  }
0x1be: {  	[sflag:s25] =	ssyncset.done $0x0  }
0x1bf: {  	s28 =	simm.s32 $0x4800;
	s26 =	rddreg [dreg:$0x7];
	[sflag:s25] =	ssyncadd.s32 $0xFFFFC000  }
0x1c0: {  	[hbm4b:s26+s2] =	stream.linear.scatter [tilespmem:s28], [sflag:$0x3], $0x2000, $0x38;
	[tilespmem:$0xA800] =	vst v63  }
0x1c1: {  	s29 =	simm.s32 $0x8800;
	s30 =	simm.s32 $0x3;
	s0 =	sadd.s32 $0x1000, s26  }
0x1c2: {  	[hbm4b:s0+s2] =	stream.linear.scatter [tilespmem:s29], [sflag:$0x3], $0x2000, $0x38;
	[tilespmem:$0xA800] =	vst v63  }
0x1c3: {  	_ =	swait.ge [sflag:s30], $0x4000  }
0x1c4: {  	s18 =	sadd.s32 $0x1, s18;
	s31 =	rddreg [dreg:$0x8]  }
0x1c5: {  	p0 =	sne.s32 s18, s31  }
.Ltmp2:
0x1c6: {  	_ = 	snop;
	(pc) =	sbr.rel @p0 .LBB2_1-.Ltmp2, $3  }
0x1c7: {  	_ =	sdelay $0x1  }
0x1c8: {  	[sflag:s30] =	ssyncset.done $0x0  }
0x1c9: {  	[sflag:s30] =	ssyncadd.s32 $0xFFFFC000  }
0x1ca: {  	_ =	sfence.sel $0x180000  }
0x1cb: {  	[bflag:$0x0] =	sbarrier.arrive $0xFFFF  }
0x1cc: {  	_ =	strace $0x90000047  }
0x1cd: {  	s0 =	stileid.u32;
	[bflag:$0x2] =	sbarrier.arrive $0xFFFF  }
0x1ce: {  	p0 =	sne.s32 s0, $0x0;
	s0 =	rddreg [dreg:$0x3]  }
0x1cf: {  	s0 =	sadd.s32 @!p0 $0x100000, s0  }
0x1d0: {  	[sflag:s0] =	ssyncadd.tile.s32 @!p0 $0x1;
	_ =	shalt  }
.Lfunc_end2:
_tile_overlayer_lowered:
.L_overlay_start_2:
0x1d1: {  	(tag) =	ssettag $0x2  }
0x1d2: {  	s0 =	rddreg [dreg:$0x0];
	s2 =	stileid.u32  }
0x1d3: {  	s1 =	rddreg [dreg:$0x1];
	p0 =	sne.s32 s2, $0x0  }
0x1d4: {  	s3 =	rddreg [dreg:$0x2];
	[bflag:$0x3] =	sbarrier.arrive $0xFFFF;
	s2 =	simm.s32 @!p0 $0x1C03  }
0x1d5: {  	[timem:s3], [sflag:s2] =	dma.local @!p0 [hbm:s0], s1  }
0x1d6: {  	s0 =	simm.s32 @!p0 $0x3  }
0x1d7: {  	_ =	swait.ge @!p0 [sflag:s0], s1  }
0x1d8: {  	s1 =	ssub.s32 @!p0 $0x0, s1;
	[sflag:s0] =	ssyncset.done @!p0 $0x0  }
0x1d9: {  	[sflag:s0] =	ssyncadd.s32 @!p0 s1  }
0x1da: {  	[bflag:$0x3] =	sbarrier.arrive $0xFFFF  }
0x1db: {  	_ =	shalt  }

</sc_bundles>
